<compile_context>
chip_gen: v7x
topology: tpu7x:2x2x1
jax: 0.10.2.dev20260603
libtpu: 0.0.44.dev20260713+nightly
codegen_flags: <defaults>
</compile_context>

<pallas_src>
import functools

import jax
import jax.numpy as jnp
from jax import lax
from jax.experimental import pallas as pl
from jax.experimental.pallas import tpu as pltpu
from jax.experimental.pallas import tpu_sc as plsc

N = 10000
E = 320000
D = 128

NC = 2
NS = 16

EPT = E // NS
CH = 80
NCHUNK = -(-EPT // CH)
EPT_P = NCHUNK * CH
SEC = NS * EPT_P
NBUF = 4
NIB = 2 * NBUF
NGRP = -(-NCHUNK // NIB)

NP = N + 8

RB = 80
NRC = N // RB
RC_PER_TILE = -(-NRC // NS)

RO = 80
NOC = N // RO
OC_PER_TILE = -(-NOC // NS)

_mesh = plsc.VectorSubcoreMesh(
    core_axis_name="c", subcore_axis_name="s", num_cores=NC, num_subcores=NS)


@functools.partial(
    pl.kernel,
    out_type=jax.ShapeDtypeStruct((N, 2 * D), jnp.float32),
    mesh=_mesh,
    scratch_types=[
        pltpu.VMEM_SHARED((NP, D), jnp.float32),
        [pltpu.VMEM((2, CH), jnp.int32)] * NIB,
        [pltpu.VMEM((CH, D), jnp.float32)] * NBUF,
        [pltpu.SemaphoreType.DMA] * NIB,
        [pltpu.SemaphoreType.DMA] * NBUF,
        [pltpu.SemaphoreType.DMA] * NBUF,
        pltpu.SemaphoreType.DMA,
    ],
)
def _h2gcn_sc(x_hbm, edges_hbm, out_hbm, acc, idxb, rows, isem, gsem, ssem,
              zsem):
    c = lax.axis_index("c")
    s = lax.axis_index("s")

    zvec = jnp.zeros((16,), jnp.float32)

    def zfill(i, _):
        rows[0][i // 8, pl.ds((i % 8) * 16, 16)] = zvec
        return 0
    lax.fori_loop(0, RB * D // 16, zfill, 0)

    tb = s * EPT_P
    src_off = (2 * c) * SEC + tb
    dst_off = (2 * c + 1) * SEC + tb

    def fetch(j, b):
        off = j * CH
        pltpu.async_copy(edges_hbm.at[pl.ds(src_off + off, CH)],
                         idxb[b].at[0], isem[b])
        pltpu.async_copy(edges_hbm.at[pl.ds(dst_off + off, CH)],
                         idxb[b].at[1], isem[b])

    def fetch_wait(b):
        pltpu.make_async_copy(edges_hbm.at[pl.ds(src_off, CH)],
                              idxb[b].at[0], isem[b]).wait()
        pltpu.make_async_copy(edges_hbm.at[pl.ds(dst_off, CH)],
                              idxb[b].at[1], isem[b]).wait()

    for m in range(NIB):
        fetch(m, m)

    def zissue(i, _):
        k = i * NS + s

        @pl.when(k < NRC)
        def _():
            pltpu.async_copy(rows[0].at[pl.ds(0, RB)],
                             acc.at[pl.ds(k * RB, RB)], zsem)
        return 0
    lax.fori_loop(0, RC_PER_TILE, zissue, 0)

    def zwait(i, _):
        k = i * NS + s

        @pl.when(k < NRC)
        def _():
            pltpu.make_async_copy(rows[0].at[pl.ds(0, RB)],
                                  acc.at[pl.ds(0, RB)], zsem).wait()
        return 0
    lax.fori_loop(0, RC_PER_TILE, zwait, 0)

    for b in range(NBUF):
        fetch_wait(b)
        pltpu.async_copy(x_hbm.at[idxb[b].at[0]], rows[b], gsem[b])
    plsc.subcore_barrier()

    @pl.loop(0, NGRP)
    def _(g):
        base = g * NIB
        for h in range(2):
            for b in range(NBUF):
                j = base + h * NBUF + b
                m = h * NBUF + b

                @pl.when(j < NCHUNK)
                def _():
                    pltpu.make_async_copy(x_hbm.at[idxb[m].at[0]], rows[b],
                                          gsem[b]).wait()
                    pltpu.async_copy(rows[b], acc.at[idxb[m].at[1]], ssem[b],
                                     add=True)
            for b in range(NBUF):
                j = base + h * NBUF + b
                m = h * NBUF + b
                jf = j + NIB
                jg = j + NBUF
                mg = (1 - h) * NBUF + b

                @pl.when(j < NCHUNK)
                def _():
                    pltpu.make_async_copy(rows[b], acc.at[idxb[m].at[1]],
                                          ssem[b]).wait()

                @pl.when(jf < NCHUNK)
                def _():
                    fetch(jf, m)

                @pl.when(jg < NCHUNK)
                def _():
                    fetch_wait(mg)
                    pltpu.async_copy(x_hbm.at[idxb[mg].at[0]], rows[b],
                                     gsem[b])

    plsc.subcore_barrier()

    col = pl.multiple_of(c * D, D)

    def oissue(i, _):
        k = i * NS + s

        @pl.when(k < NOC)
        def _():
            base = k * RO
            pltpu.async_copy(acc.at[pl.ds(base, RO)],
                             out_hbm.at[pl.ds(base, RO), pl.ds(col, D)], zsem)
        return 0
    lax.fori_loop(0, OC_PER_TILE, oissue, 0)

    def owait(i, _):
        k = i * NS + s

        @pl.when(k < NOC)
        def _():
            pltpu.make_async_copy(
                acc.at[pl.ds(0, RO)],
                out_hbm.at[pl.ds(0, RO), pl.ds(col, D)], zsem).wait()
        return 0
    lax.fori_loop(0, OC_PER_TILE, owait, 0)


def _pad_section(row, fill):
    seg = row.reshape(NS, EPT)
    seg = jnp.pad(seg, ((0, 0), (0, EPT_P - EPT)), constant_values=fill)
    return seg.reshape(-1)


def kernel(x, edge_index, edge_index2):
    ei1 = edge_index.astype(jnp.int32)
    ei2 = edge_index2.astype(jnp.int32)
    edges = jnp.concatenate([
        _pad_section(ei1[0], 0), _pad_section(ei1[1], N),
        _pad_section(ei2[0], 0), _pad_section(ei2[1], N)])
    return _h2gcn_sc(x, edges)

# --- scband reference (transcript-rebuilt; emitter-appended) ---
"""Pipeline reference for scband-h2-gcnconv-87342454931706 (READ-ONLY COPY).

The authoritative reference and input builder live on the scoring server;
editing this copy changes nothing except your own understanding.
"""

import jax, jax.numpy as jnp
import numpy as np

N = 10000
E = 320000
D = 128

def setup_inputs(seed: int = 0) -> dict:
    key = jax.random.key(seed)
    k1, k2, k3 = jax.random.split(key, 3)
    x = jax.random.normal(k1, (N, D), dtype=jnp.float32)
    edge_index = jax.random.randint(k2, (2, E), 0, N)
    edge_index2 = jax.random.randint(k3, (2, E), 0, N)
    return {"x": x, "edge_index": edge_index, "edge_index2": edge_index2}

def reference(x, edge_index, edge_index2):
    # H2GCNConv: x1 = adj_t @ x ; x2 = adj_t2 @ x ; cat([x1, x2], dim=1)
    # Sparse-dense matmul with unweighted adjacency == gather + scatter-add (segment_sum).
    src1, dst1 = edge_index[0], edge_index[1]
    x1 = jax.ops.segment_sum(x[src1], dst1, num_segments=N)
    src2, dst2 = edge_index2[0], edge_index2[1]
    x2 = jax.ops.segment_sum(x[src2], dst2, num_segments=N)
    return jnp.concatenate([x1, x2], axis=1)

if __name__ == "__main__":
    import jax
    _d = setup_inputs()
    print(jax.jit(kernel)(*tuple(_d.values())))

</pallas_src>

<mosaic_0001>
#map = affine_map<(d0, d1) -> (0, 0)>
#map1 = affine_map<(d0, d1) -> (0)>
module attributes {stable_mosaic.version = 14 : i64} {
  func.func @_h2gcn_sc(%arg0: i32, %arg1: i32, %arg2: memref<10000x128xf32, #tpu.memory_space<hbm>>, %arg3: memref<1280000xi32, #tpu.memory_space<hbm>>, %arg4: memref<10000x256xf32, #tpu.memory_space<hbm>>, %arg5: memref<10008x128xf32, #tpu.memory_space<vmem_shared>>, %arg6: memref<2x80xi32, #tpu.memory_space<vmem>>, %arg7: memref<2x80xi32, #tpu.memory_space<vmem>>, %arg8: memref<2x80xi32, #tpu.memory_space<vmem>>, %arg9: memref<2x80xi32, #tpu.memory_space<vmem>>, %arg10: memref<2x80xi32, #tpu.memory_space<vmem>>, %arg11: memref<2x80xi32, #tpu.memory_space<vmem>>, %arg12: memref<2x80xi32, #tpu.memory_space<vmem>>, %arg13: memref<2x80xi32, #tpu.memory_space<vmem>>, %arg14: memref<80x128xf32, #tpu.memory_space<vmem>>, %arg15: memref<80x128xf32, #tpu.memory_space<vmem>>, %arg16: memref<80x128xf32, #tpu.memory_space<vmem>>, %arg17: memref<80x128xf32, #tpu.memory_space<vmem>>, %arg18: memref<!tpu.dma_semaphore, #tpu.memory_space<semaphore_mem>>, %arg19: memref<!tpu.dma_semaphore, #tpu.memory_space<semaphore_mem>>, %arg20: memref<!tpu.dma_semaphore, #tpu.memory_space<semaphore_mem>>, %arg21: memref<!tpu.dma_semaphore, #tpu.memory_space<semaphore_mem>>, %arg22: memref<!tpu.dma_semaphore, #tpu.memory_space<semaphore_mem>>, %arg23: memref<!tpu.dma_semaphore, #tpu.memory_space<semaphore_mem>>, %arg24: memref<!tpu.dma_semaphore, #tpu.memory_space<semaphore_mem>>, %arg25: memref<!tpu.dma_semaphore, #tpu.memory_space<semaphore_mem>>, %arg26: memref<!tpu.dma_semaphore, #tpu.memory_space<semaphore_mem>>, %arg27: memref<!tpu.dma_semaphore, #tpu.memory_space<semaphore_mem>>, %arg28: memref<!tpu.dma_semaphore, #tpu.memory_space<semaphore_mem>>, %arg29: memref<!tpu.dma_semaphore, #tpu.memory_space<semaphore_mem>>, %arg30: memref<!tpu.dma_semaphore, #tpu.memory_space<semaphore_mem>>, %arg31: memref<!tpu.dma_semaphore, #tpu.memory_space<semaphore_mem>>, %arg32: memref<!tpu.dma_semaphore, #tpu.memory_space<semaphore_mem>>, %arg33: memref<!tpu.dma_semaphore, #tpu.memory_space<semaphore_mem>>, %arg34: memref<!tpu.dma_semaphore, #tpu.memory_space<semaphore_mem>>) attributes {dimension_semantics = [#tpu.dimension_semantics<core_parallel>, #tpu.dimension_semantics<subcore_parallel>], iteration_bounds = array<i64: 2, 16>, scalar_prefetch = 0 : i64, scratch_operands = 30 : i64, tpu.core_type = #tpu.core_type<sc_vector_subcore>, window_params = [{transform_indices = #map}, {transform_indices = #map1}, {transform_indices = #map}]} {
    %broadcast_in_dim3A = arith.constant 0.000000e+00 : f32
    %broadcast_in_dim3A_0 = vector.broadcast %broadcast_in_dim3A : f32 to vector<16xf32>
    %scan3A = arith.constant 0 : i32
    %scan3A_1 = arith.constant 0 : i32
    %scan3A_2 = arith.constant 640 : i32
    %scan3A_3 = arith.addi %scan3A_1, %scan3A_2 : i32
    %scan3A_4 = arith.constant 1 : i32
    %scan3A_5 = scf.for %scan3A_329 = %scan3A_1 to %scan3A_3 step %scan3A_4 iter_args(%scan3A_330 = %scan3A) -> (i32)  : i32 {
      %jit3A = arith.constant 8 : i32
      %div3A = arith.divsi %scan3A_329, %jit3A : i32
      %sign3A = arith.constant 0 : i32
      %sign3A_331 = arith.cmpi sgt, %scan3A_329, %sign3A : i32
      %sign3A_332 = arith.extui %sign3A_331 : i1 to i32
      %sign3A_333 = arith.constant 0 : i32
      %sign3A_334 = arith.cmpi slt, %scan3A_329, %sign3A_333 : i32
      %sign3A_335 = arith.extui %sign3A_334 : i1 to i32
      %sign3A_336 = arith.subi %sign3A_332, %sign3A_335 : i32
      %sign3A_337 = arith.constant 0 : i32
      %sign3A_338 = arith.cmpi sgt, %jit3A, %sign3A_337 : i32
      %sign3A_339 = arith.extui %sign3A_338 : i1 to i32
      %sign3A_340 = arith.constant 0 : i32
      %sign3A_341 = arith.cmpi slt, %jit3A, %sign3A_340 : i32
      %sign3A_342 = arith.extui %sign3A_341 : i1 to i32
      %sign3A_343 = arith.subi %sign3A_339, %sign3A_342 : i32
      %ne3A = arith.cmpi ne, %sign3A_336, %sign3A_343 : i32
      %rem3A = arith.remsi %scan3A_329, %jit3A : i32
      %ne3A_344 = arith.constant 0 : i32
      %ne3A_345 = arith.cmpi ne, %rem3A, %ne3A_344 : i32
      %and3A = arith.andi %ne3A, %ne3A_345 : i1
      %sub3A = arith.constant 1 : i32
      %sub3A_346 = arith.subi %div3A, %sub3A : i32
      %select_n3A = arith.select %and3A, %sub3A_346, %div3A : i32
      %jit3A_347 = arith.constant 8 : i32
      %eq3A = arith.constant 0 : i32
      %eq3A_348 = arith.cmpi eq, %jit3A_347, %eq3A : i32
      %jit3A_349 = arith.constant 1 : i32
      %select_n3A_350 = arith.select %eq3A_348, %jit3A_349, %jit3A_347 : i32
      %rem3A_351 = arith.remsi %scan3A_329, %select_n3A_350 : i32
      %ne3A_352 = arith.constant 0 : i32
      %ne3A_353 = arith.cmpi ne, %rem3A_351, %ne3A_352 : i32
      %lt3A = arith.constant 0 : i32
      %lt3A_354 = arith.cmpi slt, %rem3A_351, %lt3A : i32
      %lt3A_355 = arith.constant 0 : i32
      %lt3A_356 = arith.cmpi slt, %select_n3A_350, %lt3A_355 : i32
      %ne3A_357 = arith.xori %lt3A_354, %lt3A_356 : i1
      %and3A_358 = arith.andi %ne3A_357, %ne3A_353 : i1
      %add3A_359 = arith.addi %rem3A_351, %select_n3A_350 : i32
      %select_n3A_360 = arith.select %and3A_358, %add3A_359, %rem3A_351 : i32
      %mul3A_361 = arith.constant 16 : i32
      %mul3A_362 = arith.muli %select_n3A_360, %mul3A_361 : i32
      %swap3A = arith.index_cast %select_n3A : i32 to index
      %swap3A_363 = arith.index_cast %mul3A_362 : i32 to index
      %swap3A_364 = tpu.vector_load %arg14[%swap3A, %swap3A_363] {strides = array<i32>} : memref<80x128xf32, #tpu.memory_space<vmem>>, vector<1x16xf32>,
      %swap3A_365 = vector.shape_cast %swap3A_364 : vector<1x16xf32> to vector<16xf32>
      %swap3A_366 = vector.shape_cast %broadcast_in_dim3A_0 : vector<16xf32> to vector<1x16xf32>
      tpu.vector_store %arg14[%swap3A, %swap3A_363], %swap3A_366 {strides = array<i32>} : memref<80x128xf32, #tpu.memory_space<vmem>>, vector<1x16xf32>,
      %scan3A_367 = arith.constant 0 : i32
      scf.yield %scan3A_367 : i32
    }
    %scan3A_6 = arith.constant 640 : i32
    %mul3A = arith.constant 20000 : i32
    %mul3A_7 = arith.muli %arg1, %mul3A : i32
    %mul3A_8 = arith.constant 2 : i32
    %mul3A_9 = arith.muli %mul3A_8, %arg0 : i32
    %mul3A_10 = arith.constant 320000 : i32
    %mul3A_11 = arith.muli %mul3A_9, %mul3A_10 : i32
    %add3A = arith.addi %mul3A_11, %mul3A_7 : i32
    %mul3A_12 = arith.constant 2 : i32
    %mul3A_13 = arith.muli %mul3A_12, %arg0 : i32
    %add3A_14 = arith.constant 1 : i32
    %add3A_15 = arith.addi %mul3A_13, %add3A_14 : i32
    %mul3A_16 = arith.constant 320000 : i32
    %mul3A_17 = arith.muli %add3A_15, %mul3A_16 : i32
    %add3A_18 = arith.addi %mul3A_17, %mul3A_7 : i32
    %add3A_19 = arith.constant 0 : i32
    %add3A_20 = arith.addi %add3A, %add3A_19 : i32
    %dma_start3A = arith.constant 0 : i32
    %dma_start3A_21 = arith.constant 0 : i32
    %dma_start3A_22 = tpu.memref_slice %arg6[%dma_start3A, %dma_start3A_21] : memref<2x80xi32, #tpu.memory_space<vmem>> -> memref<1x80xi32, #tpu.memory_space<vmem>>
    %dma_start3A_23 = tpu.memref_squeeze %dma_start3A_22 : memref<1x80xi32, #tpu.memory_space<vmem>> -> memref<80xi32, #tpu.memory_space<vmem>>
    %dma_start3A_24 = tpu.memref_slice %arg3[%add3A_20] : memref<1280000xi32, #tpu.memory_space<hbm>> -> memref<80xi32, #tpu.memory_space<hbm>>
    %dma_start3A_25 = arith.constant 0 : i32
    %dma_start3A_26 = tpu.memref_slice %arg6[%dma_start3A, %dma_start3A_25] : memref<2x80xi32, #tpu.memory_space<vmem>> -> memref<1x80xi32, #tpu.memory_space<vmem>>
    %dma_start3A_27 = tpu.memref_squeeze %dma_start3A_26 : memref<1x80xi32, #tpu.memory_space<vmem>> -> memref<80xi32, #tpu.memory_space<vmem>>
    %dma_start3A_28 = tpu.memref_slice %arg3[%add3A_20] : memref<1280000xi32, #tpu.memory_space<hbm>> -> memref<80xi32, #tpu.memory_space<hbm>>
    tpu.enqueue_dma source(%dma_start3A_28 : memref<80xi32, #tpu.memory_space<hbm>>) target(%dma_start3A_27 : memref<80xi32, #tpu.memory_space<vmem>>) target_semaphore(%arg18 : memref<!tpu.dma_semaphore, #tpu.memory_space<semaphore_mem>>)
    %add3A_29 = arith.constant 0 : i32
    %add3A_30 = arith.addi %add3A_18, %add3A_29 : i32
    %dma_start3A_31 = arith.constant 1 : i32
    %dma_start3A_32 = arith.constant 0 : i32
    %dma_start3A_33 = tpu.memref_slice %arg6[%dma_start3A_31, %dma_start3A_32] : memref<2x80xi32, #tpu.memory_space<vmem>> -> memref<1x80xi32, #tpu.memory_space<vmem>>
    %dma_start3A_34 = tpu.memref_squeeze %dma_start3A_33 : memref<1x80xi32, #tpu.memory_space<vmem>> -> memref<80xi32, #tpu.memory_space<vmem>>
    %dma_start3A_35 = tpu.memref_slice %arg3[%add3A_30] : memref<1280000xi32, #tpu.memory_space<hbm>> -> memref<80xi32, #tpu.memory_space<hbm>>
    %dma_start3A_36 = arith.constant 0 : i32
    %dma_start3A_37 = tpu.memref_slice %arg6[%dma_start3A_31, %dma_start3A_36] : memref<2x80xi32, #tpu.memory_space<vmem>> -> memref<1x80xi32, #tpu.memory_space<vmem>>
    %dma_start3A_38 = tpu.memref_squeeze %dma_start3A_37 : memref<1x80xi32, #tpu.memory_space<vmem>> -> memref<80xi32, #tpu.memory_space<vmem>>
    %dma_start3A_39 = tpu.memref_slice %arg3[%add3A_30] : memref<1280000xi32, #tpu.memory_space<hbm>> -> memref<80xi32, #tpu.memory_space<hbm>>
    tpu.enqueue_dma source(%dma_start3A_39 : memref<80xi32, #tpu.memory_space<hbm>>) target(%dma_start3A_38 : memref<80xi32, #tpu.memory_space<vmem>>) target_semaphore(%arg18 : memref<!tpu.dma_semaphore, #tpu.memory_space<semaphore_mem>>)
    %add3A_40 = arith.constant 80 : i32
    %add3A_41 = arith.addi %add3A, %add3A_40 : i32
    %dma_start3A_42 = arith.constant 0 : i32
    %dma_start3A_43 = arith.constant 0 : i32
    %dma_start3A_44 = tpu.memref_slice %arg7[%dma_start3A_42, %dma_start3A_43] : memref<2x80xi32, #tpu.memory_space<vmem>> -> memref<1x80xi32, #tpu.memory_space<vmem>>
    %dma_start3A_45 = tpu.memref_squeeze %dma_start3A_44 : memref<1x80xi32, #tpu.memory_space<vmem>> -> memref<80xi32, #tpu.memory_space<vmem>>
    %dma_start3A_46 = tpu.memref_slice %arg3[%add3A_41] : memref<1280000xi32, #tpu.memory_space<hbm>> -> memref<80xi32, #tpu.memory_space<hbm>>
    %dma_start3A_47 = arith.constant 0 : i32
    %dma_start3A_48 = tpu.memref_slice %arg7[%dma_start3A_42, %dma_start3A_47] : memref<2x80xi32, #tpu.memory_space<vmem>> -> memref<1x80xi32, #tpu.memory_space<vmem>>
    %dma_start3A_49 = tpu.memref_squeeze %dma_start3A_48 : memref<1x80xi32, #tpu.memory_space<vmem>> -> memref<80xi32, #tpu.memory_space<vmem>>
    %dma_start3A_50 = tpu.memref_slice %arg3[%add3A_41] : memref<1280000xi32, #tpu.memory_space<hbm>> -> memref<80xi32, #tpu.memory_space<hbm>>
    tpu.enqueue_dma source(%dma_start3A_50 : memref<80xi32, #tpu.memory_space<hbm>>) target(%dma_start3A_49 : memref<80xi32, #tpu.memory_space<vmem>>) target_semaphore(%arg19 : memref<!tpu.dma_semaphore, #tpu.memory_space<semaphore_mem>>)
    %add3A_51 = arith.constant 80 : i32
    %add3A_52 = arith.addi %add3A_18, %add3A_51 : i32
    %dma_start3A_53 = arith.constant 1 : i32
    %dma_start3A_54 = arith.constant 0 : i32
    %dma_start3A_55 = tpu.memref_slice %arg7[%dma_start3A_53, %dma_start3A_54] : memref<2x80xi32, #tpu.memory_space<vmem>> -> memref<1x80xi32, #tpu.memory_space<vmem>>
    %dma_start3A_56 = tpu.memref_squeeze %dma_start3A_55 : memref<1x80xi32, #tpu.memory_space<vmem>> -> memref<80xi32, #tpu.memory_space<vmem>>
    %dma_start3A_57 = tpu.memref_slice %arg3[%add3A_52] : memref<1280000xi32, #tpu.memory_space<hbm>> -> memref<80xi32, #tpu.memory_space<hbm>>
    %dma_start3A_58 = arith.constant 0 : i32
    %dma_start3A_59 = tpu.memref_slice %arg7[%dma_start3A_53, %dma_start3A_58] : memref<2x80xi32, #tpu.memory_space<vmem>> -> memref<1x80xi32, #tpu.memory_space<vmem>>
    %dma_start3A_60 = tpu.memref_squeeze %dma_start3A_59 : memref<1x80xi32, #tpu.memory_space<vmem>> -> memref<80xi32, #tpu.memory_space<vmem>>
    %dma_start3A_61 = tpu.memref_slice %arg3[%add3A_52] : memref<1280000xi32, #tpu.memory_space<hbm>> -> memref<80xi32, #tpu.memory_space<hbm>>
    tpu.enqueue_dma source(%dma_start3A_61 : memref<80xi32, #tpu.memory_space<hbm>>) target(%dma_start3A_60 : memref<80xi32, #tpu.memory_space<vmem>>) target_semaphore(%arg19 : memref<!tpu.dma_semaphore, #tpu.memory_space<semaphore_mem>>)
    %add3A_62 = arith.constant 160 : i32
    %add3A_63 = arith.addi %add3A, %add3A_62 : i32
    %dma_start3A_64 = arith.constant 0 : i32
    %dma_start3A_65 = arith.constant 0 : i32
    %dma_start3A_66 = tpu.memref_slice %arg8[%dma_start3A_64, %dma_start3A_65] : memref<2x80xi32, #tpu.memory_space<vmem>> -> memref<1x80xi32, #tpu.memory_space<vmem>>
    %dma_start3A_67 = tpu.memref_squeeze %dma_start3A_66 : memref<1x80xi32, #tpu.memory_space<vmem>> -> memref<80xi32, #tpu.memory_space<vmem>>
    %dma_start3A_68 = tpu.memref_slice %arg3[%add3A_63] : memref<1280000xi32, #tpu.memory_space<hbm>> -> memref<80xi32, #tpu.memory_space<hbm>>
    %dma_start3A_69 = arith.constant 0 : i32
    %dma_start3A_70 = tpu.memref_slice %arg8[%dma_start3A_64, %dma_start3A_69] : memref<2x80xi32, #tpu.memory_space<vmem>> -> memref<1x80xi32, #tpu.memory_space<vmem>>
    %dma_start3A_71 = tpu.memref_squeeze %dma_start3A_70 : memref<1x80xi32, #tpu.memory_space<vmem>> -> memref<80xi32, #tpu.memory_space<vmem>>
    %dma_start3A_72 = tpu.memref_slice %arg3[%add3A_63] : memref<1280000xi32, #tpu.memory_space<hbm>> -> memref<80xi32, #tpu.memory_space<hbm>>
    tpu.enqueue_dma source(%dma_start3A_72 : memref<80xi32, #tpu.memory_space<hbm>>) target(%dma_start3A_71 : memref<80xi32, #tpu.memory_space<vmem>>) target_semaphore(%arg20 : memref<!tpu.dma_semaphore, #tpu.memory_space<semaphore_mem>>)
    %add3A_73 = arith.constant 160 : i32
    %add3A_74 = arith.addi %add3A_18, %add3A_73 : i32
    %dma_start3A_75 = arith.constant 1 : i32
    %dma_start3A_76 = arith.constant 0 : i32
    %dma_start3A_77 = tpu.memref_slice %arg8[%dma_start3A_75, %dma_start3A_76] : memref<2x80xi32, #tpu.memory_space<vmem>> -> memref<1x80xi32, #tpu.memory_space<vmem>>
    %dma_start3A_78 = tpu.memref_squeeze %dma_start3A_77 : memref<1x80xi32, #tpu.memory_space<vmem>> -> memref<80xi32, #tpu.memory_space<vmem>>
    %dma_start3A_79 = tpu.memref_slice %arg3[%add3A_74] : memref<1280000xi32, #tpu.memory_space<hbm>> -> memref<80xi32, #tpu.memory_space<hbm>>
    %dma_start3A_80 = arith.constant 0 : i32
    %dma_start3A_81 = tpu.memref_slice %arg8[%dma_start3A_75, %dma_start3A_80] : memref<2x80xi32, #tpu.memory_space<vmem>> -> memref<1x80xi32, #tpu.memory_space<vmem>>
    %dma_start3A_82 = tpu.memref_squeeze %dma_start3A_81 : memref<1x80xi32, #tpu.memory_space<vmem>> -> memref<80xi32, #tpu.memory_space<vmem>>
    %dma_start3A_83 = tpu.memref_slice %arg3[%add3A_74] : memref<1280000xi32, #tpu.memory_space<hbm>> -> memref<80xi32, #tpu.memory_space<hbm>>
    tpu.enqueue_dma source(%dma_start3A_83 : memref<80xi32, #tpu.memory_space<hbm>>) target(%dma_start3A_82 : memref<80xi32, #tpu.memory_space<vmem>>) target_semaphore(%arg20 : memref<!tpu.dma_semaphore, #tpu.memory_space<semaphore_mem>>)
    %add3A_84 = arith.constant 240 : i32
    %add3A_85 = arith.addi %add3A, %add3A_84 : i32
    %dma_start3A_86 = arith.constant 0 : i32
    %dma_start3A_87 = arith.constant 0 : i32
    %dma_start3A_88 = tpu.memref_slice %arg9[%dma_start3A_86, %dma_start3A_87] : memref<2x80xi32, #tpu.memory_space<vmem>> -> memref<1x80xi32, #tpu.memory_space<vmem>>
    %dma_start3A_89 = tpu.memref_squeeze %dma_start3A_88 : memref<1x80xi32, #tpu.memory_space<vmem>> -> memref<80xi32, #tpu.memory_space<vmem>>
    %dma_start3A_90 = tpu.memref_slice %arg3[%add3A_85] : memref<1280000xi32, #tpu.memory_space<hbm>> -> memref<80xi32, #tpu.memory_space<hbm>>
    %dma_start3A_91 = arith.constant 0 : i32
    %dma_start3A_92 = tpu.memref_slice %arg9[%dma_start3A_86, %dma_start3A_91] : memref<2x80xi32, #tpu.memory_space<vmem>> -> memref<1x80xi32, #tpu.memory_space<vmem>>
    %dma_start3A_93 = tpu.memref_squeeze %dma_start3A_92 : memref<1x80xi32, #tpu.memory_space<vmem>> -> memref<80xi32, #tpu.memory_space<vmem>>
    %dma_start3A_94 = tpu.memref_slice %arg3[%add3A_85] : memref<1280000xi32, #tpu.memory_space<hbm>> -> memref<80xi32, #tpu.memory_space<hbm>>
    tpu.enqueue_dma source(%dma_start3A_94 : memref<80xi32, #tpu.memory_space<hbm>>) target(%dma_start3A_93 : memref<80xi32, #tpu.memory_space<vmem>>) target_semaphore(%arg21 : memref<!tpu.dma_semaphore, #tpu.memory_space<semaphore_mem>>)
    %add3A_95 = arith.constant 240 : i32
    %add3A_96 = arith.addi %add3A_18, %add3A_95 : i32
    %dma_start3A_97 = arith.constant 1 : i32
    %dma_start3A_98 = arith.constant 0 : i32
    %dma_start3A_99 = tpu.memref_slice %arg9[%dma_start3A_97, %dma_start3A_98] : memref<2x80xi32, #tpu.memory_space<vmem>> -> memref<1x80xi32, #tpu.memory_space<vmem>>
    %dma_start3A_100 = tpu.memref_squeeze %dma_start3A_99 : memref<1x80xi32, #tpu.memory_space<vmem>> -> memref<80xi32, #tpu.memory_space<vmem>>
    %dma_start3A_101 = tpu.memref_slice %arg3[%add3A_96] : memref<1280000xi32, #tpu.memory_space<hbm>> -> memref<80xi32, #tpu.memory_space<hbm>>
    %dma_start3A_102 = arith.constant 0 : i32
    %dma_start3A_103 = tpu.memref_slice %arg9[%dma_start3A_97, %dma_start3A_102] : memref<2x80xi32, #tpu.memory_space<vmem>> -> memref<1x80xi32, #tpu.memory_space<vmem>>
    %dma_start3A_104 = tpu.memref_squeeze %dma_start3A_103 : memref<1x80xi32, #tpu.memory_space<vmem>> -> memref<80xi32, #tpu.memory_space<vmem>>
    %dma_start3A_105 = tpu.memref_slice %arg3[%add3A_96] : memref<1280000xi32, #tpu.memory_space<hbm>> -> memref<80xi32, #tpu.memory_space<hbm>>
    tpu.enqueue_dma source(%dma_start3A_105 : memref<80xi32, #tpu.memory_space<hbm>>) target(%dma_start3A_104 : memref<80xi32, #tpu.memory_space<vmem>>) target_semaphore(%arg21 : memref<!tpu.dma_semaphore, #tpu.memory_space<semaphore_mem>>)
    %add3A_106 = arith.constant 320 : i32
    %add3A_107 = arith.addi %add3A, %add3A_106 : i32
    %dma_start3A_108 = arith.constant 0 : i32
    %dma_start3A_109 = arith.constant 0 : i32
    %dma_start3A_110 = tpu.memref_slice %arg10[%dma_start3A_108, %dma_start3A_109] : memref<2x80xi32, #tpu.memory_space<vmem>> -> memref<1x80xi32, #tpu.memory_space<vmem>>
    %dma_start3A_111 = tpu.memref_squeeze %dma_start3A_110 : memref<1x80xi32, #tpu.memory_space<vmem>> -> memref<80xi32, #tpu.memory_space<vmem>>
    %dma_start3A_112 = tpu.memref_slice %arg3[%add3A_107] : memref<1280000xi32, #tpu.memory_space<hbm>> -> memref<80xi32, #tpu.memory_space<hbm>>
    %dma_start3A_113 = arith.constant 0 : i32
    %dma_start3A_114 = tpu.memref_slice %arg10[%dma_start3A_108, %dma_start3A_113] : memref<2x80xi32, #tpu.memory_space<vmem>> -> memref<1x80xi32, #tpu.memory_space<vmem>>
    %dma_start3A_115 = tpu.memref_squeeze %dma_start3A_114 : memref<1x80xi32, #tpu.memory_space<vmem>> -> memref<80xi32, #tpu.memory_space<vmem>>
    %dma_start3A_116 = tpu.memref_slice %arg3[%add3A_107] : memref<1280000xi32, #tpu.memory_space<hbm>> -> memref<80xi32, #tpu.memory_space<hbm>>
    tpu.enqueue_dma source(%dma_start3A_116 : memref<80xi32, #tpu.memory_space<hbm>>) target(%dma_start3A_115 : memref<80xi32, #tpu.memory_space<vmem>>) target_semaphore(%arg22 : memref<!tpu.dma_semaphore, #tpu.memory_space<semaphore_mem>>)
    %add3A_117 = arith.constant 320 : i32
    %add3A_118 = arith.addi %add3A_18, %add3A_117 : i32
    %dma_start3A_119 = arith.constant 1 : i32
    %dma_start3A_120 = arith.constant 0 : i32
    %dma_start3A_121 = tpu.memref_slice %arg10[%dma_start3A_119, %dma_start3A_120] : memref<2x80xi32, #tpu.memory_space<vmem>> -> memref<1x80xi32, #tpu.memory_space<vmem>>
    %dma_start3A_122 = tpu.memref_squeeze %dma_start3A_121 : memref<1x80xi32, #tpu.memory_space<vmem>> -> memref<80xi32, #tpu.memory_space<vmem>>
    %dma_start3A_123 = tpu.memref_slice %arg3[%add3A_118] : memref<1280000xi32, #tpu.memory_space<hbm>> -> memref<80xi32, #tpu.memory_space<hbm>>
    %dma_start3A_124 = arith.constant 0 : i32
    %dma_start3A_125 = tpu.memref_slice %arg10[%dma_start3A_119, %dma_start3A_124] : memref<2x80xi32, #tpu.memory_space<vmem>> -> memref<1x80xi32, #tpu.memory_space<vmem>>
    %dma_start3A_126 = tpu.memref_squeeze %dma_start3A_125 : memref<1x80xi32, #tpu.memory_space<vmem>> -> memref<80xi32, #tpu.memory_space<vmem>>
    %dma_start3A_127 = tpu.memref_slice %arg3[%add3A_118] : memref<1280000xi32, #tpu.memory_space<hbm>> -> memref<80xi32, #tpu.memory_space<hbm>>
    tpu.enqueue_dma source(%dma_start3A_127 : memref<80xi32, #tpu.memory_space<hbm>>) target(%dma_start3A_126 : memref<80xi32, #tpu.memory_space<vmem>>) target_semaphore(%arg22 : memref<!tpu.dma_semaphore, #tpu.memory_space<semaphore_mem>>)
    %add3A_128 = arith.constant 400 : i32
    %add3A_129 = arith.addi %add3A, %add3A_128 : i32
    %dma_start3A_130 = arith.constant 0 : i32
    %dma_start3A_131 = arith.constant 0 : i32
    %dma_start3A_132 = tpu.memref_slice %arg11[%dma_start3A_130, %dma_start3A_131] : memref<2x80xi32, #tpu.memory_space<vmem>> -> memref<1x80xi32, #tpu.memory_space<vmem>>
    %dma_start3A_133 = tpu.memref_squeeze %dma_start3A_132 : memref<1x80xi32, #tpu.memory_space<vmem>> -> memref<80xi32, #tpu.memory_space<vmem>>
    %dma_start3A_134 = tpu.memref_slice %arg3[%add3A_129] : memref<1280000xi32, #tpu.memory_space<hbm>> -> memref<80xi32, #tpu.memory_space<hbm>>
    %dma_start3A_135 = arith.constant 0 : i32
    %dma_start3A_136 = tpu.memref_slice %arg11[%dma_start3A_130, %dma_start3A_135] : memref<2x80xi32, #tpu.memory_space<vmem>> -> memref<1x80xi32, #tpu.memory_space<vmem>>
    %dma_start3A_137 = tpu.memref_squeeze %dma_start3A_136 : memref<1x80xi32, #tpu.memory_space<vmem>> -> memref<80xi32, #tpu.memory_space<vmem>>
    %dma_start3A_138 = tpu.memref_slice %arg3[%add3A_129] : memref<1280000xi32, #tpu.memory_space<hbm>> -> memref<80xi32, #tpu.memory_space<hbm>>
    tpu.enqueue_dma source(%dma_start3A_138 : memref<80xi32, #tpu.memory_space<hbm>>) target(%dma_start3A_137 : memref<80xi32, #tpu.memory_space<vmem>>) target_semaphore(%arg23 : memref<!tpu.dma_semaphore, #tpu.memory_space<semaphore_mem>>)
    %add3A_139 = arith.constant 400 : i32
    %add3A_140 = arith.addi %add3A_18, %add3A_139 : i32
    %dma_start3A_141 = arith.constant 1 : i32
    %dma_start3A_142 = arith.constant 0 : i32
    %dma_start3A_143 = tpu.memref_slice %arg11[%dma_start3A_141, %dma_start3A_142] : memref<2x80xi32, #tpu.memory_space<vmem>> -> memref<1x80xi32, #tpu.memory_space<vmem>>
    %dma_start3A_144 = tpu.memref_squeeze %dma_start3A_143 : memref<1x80xi32, #tpu.memory_space<vmem>> -> memref<80xi32, #tpu.memory_space<vmem>>
    %dma_start3A_145 = tpu.memref_slice %arg3[%add3A_140] : memref<1280000xi32, #tpu.memory_space<hbm>> -> memref<80xi32, #tpu.memory_space<hbm>>
    %dma_start3A_146 = arith.constant 0 : i32
    %dma_start3A_147 = tpu.memref_slice %arg11[%dma_start3A_141, %dma_start3A_146] : memref<2x80xi32, #tpu.memory_space<vmem>> -> memref<1x80xi32, #tpu.memory_space<vmem>>
    %dma_start3A_148 = tpu.memref_squeeze %dma_start3A_147 : memref<1x80xi32, #tpu.memory_space<vmem>> -> memref<80xi32, #tpu.memory_space<vmem>>
    %dma_start3A_149 = tpu.memref_slice %arg3[%add3A_140] : memref<1280000xi32, #tpu.memory_space<hbm>> -> memref<80xi32, #tpu.memory_space<hbm>>
    tpu.enqueue_dma source(%dma_start3A_149 : memref<80xi32, #tpu.memory_space<hbm>>) target(%dma_start3A_148 : memref<80xi32, #tpu.memory_space<vmem>>) target_semaphore(%arg23 : memref<!tpu.dma_semaphore, #tpu.memory_space<semaphore_mem>>)
    %add3A_150 = arith.constant 480 : i32
    %add3A_151 = arith.addi %add3A, %add3A_150 : i32
    %dma_start3A_152 = arith.constant 0 : i32
    %dma_start3A_153 = arith.constant 0 : i32
    %dma_start3A_154 = tpu.memref_slice %arg12[%dma_start3A_152, %dma_start3A_153] : memref<2x80xi32, #tpu.memory_space<vmem>> -> memref<1x80xi32, #tpu.memory_space<vmem>>
    %dma_start3A_155 = tpu.memref_squeeze %dma_start3A_154 : memref<1x80xi32, #tpu.memory_space<vmem>> -> memref<80xi32, #tpu.memory_space<vmem>>
    %dma_start3A_156 = tpu.memref_slice %arg3[%add3A_151] : memref<1280000xi32, #tpu.memory_space<hbm>> -> memref<80xi32, #tpu.memory_space<hbm>>
    %dma_start3A_157 = arith.constant 0 : i32
    %dma_start3A_158 = tpu.memref_slice %arg12[%dma_start3A_152, %dma_start3A_157] : memref<2x80xi32, #tpu.memory_space<vmem>> -> memref<1x80xi32, #tpu.memory_space<vmem>>
    %dma_start3A_159 = tpu.memref_squeeze %dma_start3A_158 : memref<1x80xi32, #tpu.memory_space<vmem>> -> memref<80xi32, #tpu.memory_space<vmem>>
    %dma_start3A_160 = tpu.memref_slice %arg3[%add3A_151] : memref<1280000xi32, #tpu.memory_space<hbm>> -> memref<80xi32, #tpu.memory_space<hbm>>
    tpu.enqueue_dma source(%dma_start3A_160 : memref<80xi32, #tpu.memory_space<hbm>>) target(%dma_start3A_159 : memref<80xi32, #tpu.memory_space<vmem>>) target_semaphore(%arg24 : memref<!tpu.dma_semaphore, #tpu.memory_space<semaphore_mem>>)
    %add3A_161 = arith.constant 480 : i32
    %add3A_162 = arith.addi %add3A_18, %add3A_161 : i32
    %dma_start3A_163 = arith.constant 1 : i32
    %dma_start3A_164 = arith.constant 0 : i32
    %dma_start3A_165 = tpu.memref_slice %arg12[%dma_start3A_163, %dma_start3A_164] : memref<2x80xi32, #tpu.memory_space<vmem>> -> memref<1x80xi32, #tpu.memory_space<vmem>>
    %dma_start3A_166 = tpu.memref_squeeze %dma_start3A_165 : memref<1x80xi32, #tpu.memory_space<vmem>> -> memref<80xi32, #tpu.memory_space<vmem>>
    %dma_start3A_167 = tpu.memref_slice %arg3[%add3A_162] : memref<1280000xi32, #tpu.memory_space<hbm>> -> memref<80xi32, #tpu.memory_space<hbm>>
    %dma_start3A_168 = arith.constant 0 : i32
    %dma_start3A_169 = tpu.memref_slice %arg12[%dma_start3A_163, %dma_start3A_168] : memref<2x80xi32, #tpu.memory_space<vmem>> -> memref<1x80xi32, #tpu.memory_space<vmem>>
    %dma_start3A_170 = tpu.memref_squeeze %dma_start3A_169 : memref<1x80xi32, #tpu.memory_space<vmem>> -> memref<80xi32, #tpu.memory_space<vmem>>
    %dma_start3A_171 = tpu.memref_slice %arg3[%add3A_162] : memref<1280000xi32, #tpu.memory_space<hbm>> -> memref<80xi32, #tpu.memory_space<hbm>>
    tpu.enqueue_dma source(%dma_start3A_171 : memref<80xi32, #tpu.memory_space<hbm>>) target(%dma_start3A_170 : memref<80xi32, #tpu.memory_space<vmem>>) target_semaphore(%arg24 : memref<!tpu.dma_semaphore, #tpu.memory_space<semaphore_mem>>)
    %add3A_172 = arith.constant 560 : i32
    %add3A_173 = arith.addi %add3A, %add3A_172 : i32
    %dma_start3A_174 = arith.constant 0 : i32
    %dma_start3A_175 = arith.constant 0 : i32
    %dma_start3A_176 = tpu.memref_slice %arg13[%dma_start3A_174, %dma_start3A_175] : memref<2x80xi32, #tpu.memory_space<vmem>> -> memref<1x80xi32, #tpu.memory_space<vmem>>
    %dma_start3A_177 = tpu.memref_squeeze %dma_start3A_176 : memref<1x80xi32, #tpu.memory_space<vmem>> -> memref<80xi32, #tpu.memory_space<vmem>>
    %dma_start3A_178 = tpu.memref_slice %arg3[%add3A_173] : memref<1280000xi32, #tpu.memory_space<hbm>> -> memref<80xi32, #tpu.memory_space<hbm>>
    %dma_start3A_179 = arith.constant 0 : i32
    %dma_start3A_180 = tpu.memref_slice %arg13[%dma_start3A_174, %dma_start3A_179] : memref<2x80xi32, #tpu.memory_space<vmem>> -> memref<1x80xi32, #tpu.memory_space<vmem>>
    %dma_start3A_181 = tpu.memref_squeeze %dma_start3A_180 : memref<1x80xi32, #tpu.memory_space<vmem>> -> memref<80xi32, #tpu.memory_space<vmem>>
    %dma_start3A_182 = tpu.memref_slice %arg3[%add3A_173] : memref<1280000xi32, #tpu.memory_space<hbm>> -> memref<80xi32, #tpu.memory_space<hbm>>
    tpu.enqueue_dma source(%dma_start3A_182 : memref<80xi32, #tpu.memory_space<hbm>>) target(%dma_start3A_181 : memref<80xi32, #tpu.memory_space<vmem>>) target_semaphore(%arg25 : memref<!tpu.dma_semaphore, #tpu.memory_space<semaphore_mem>>)
    %add3A_183 = arith.constant 560 : i32
    %add3A_184 = arith.addi %add3A_18, %add3A_183 : i32
    %dma_start3A_185 = arith.constant 1 : i32
    %dma_start3A_186 = arith.constant 0 : i32
    %dma_start3A_187 = tpu.memref_slice %arg13[%dma_start3A_185, %dma_start3A_186] : memref<2x80xi32, #tpu.memory_space<vmem>> -> memref<1x80xi32, #tpu.memory_space<vmem>>
    %dma_start3A_188 = tpu.memref_squeeze %dma_start3A_187 : memref<1x80xi32, #tpu.memory_space<vmem>> -> memref<80xi32, #tpu.memory_space<vmem>>
    %dma_start3A_189 = tpu.memref_slice %arg3[%add3A_184] : memref<1280000xi32, #tpu.memory_space<hbm>> -> memref<80xi32, #tpu.memory_space<hbm>>
    %dma_start3A_190 = arith.constant 0 : i32
    %dma_start3A_191 = tpu.memref_slice %arg13[%dma_start3A_185, %dma_start3A_190] : memref<2x80xi32, #tpu.memory_space<vmem>> -> memref<1x80xi32, #tpu.memory_space<vmem>>
    %dma_start3A_192 = tpu.memref_squeeze %dma_start3A_191 : memref<1x80xi32, #tpu.memory_space<vmem>> -> memref<80xi32, #tpu.memory_space<vmem>>
    %dma_start3A_193 = tpu.memref_slice %arg3[%add3A_184] : memref<1280000xi32, #tpu.memory_space<hbm>> -> memref<80xi32, #tpu.memory_space<hbm>>
    tpu.enqueue_dma source(%dma_start3A_193 : memref<80xi32, #tpu.memory_space<hbm>>) target(%dma_start3A_192 : memref<80xi32, #tpu.memory_space<vmem>>) target_semaphore(%arg25 : memref<!tpu.dma_semaphore, #tpu.memory_space<semaphore_mem>>)
    %scan3A_194 = arith.constant 0 : i32
    %scan3A_195 = arith.constant 0 : i32
    %scan3A_196 = arith.constant 8 : i32
    %scan3A_197 = arith.addi %scan3A_195, %scan3A_196 : i32
    %scan3A_198 = arith.constant 1 : i32
    %scan3A_199 = scf.for %scan3A_329 = %scan3A_195 to %scan3A_197 step %scan3A_198 iter_args(%scan3A_330 = %scan3A_194) -> (i32)  : i32 {
      %mul3A_331 = arith.constant 16 : i32
      %mul3A_332 = arith.muli %scan3A_329, %mul3A_331 : i32
      %add3A_333 = arith.addi %mul3A_332, %arg1 : i32
      %lt3A = arith.constant 125 : i32
      %lt3A_334 = arith.cmpi slt, %add3A_333, %lt3A : i32
      %convert_element_type3A = arith.extui %lt3A_334 : i1 to i32
      %cond3A = arith.constant 0 : i32
      %cond3A_335 = arith.cmpi ne, %convert_element_type3A, %cond3A : i32
      scf.if %cond3A_335 {
        %mul3A_337 = arith.constant 80 : i32
        %mul3A_338 = arith.muli %add3A_333, %mul3A_337 : i32
        %dma_start3A_339 = arith.constant 0 : i32
        %dma_start3A_340 = arith.constant 0 : i32
        %dma_start3A_341 = tpu.memref_slice %arg14[%dma_start3A_339, %dma_start3A_340] : memref<80x128xf32, #tpu.memory_space<vmem>> -> memref<80x128xf32, #tpu.memory_space<vmem>>
        %dma_start3A_342 = arith.constant 0 : i32
        %dma_start3A_343 = tpu.memref_slice %arg5[%mul3A_338, %dma_start3A_342] : memref<10008x128xf32, #tpu.memory_space<vmem_shared>> -> memref<80x128xf32, #tpu.memory_space<vmem_shared>>
        %dma_start3A_344 = arith.constant 0 : i32
        %dma_start3A_345 = tpu.memref_slice %arg5[%mul3A_338, %dma_start3A_344] : memref<10008x128xf32, #tpu.memory_space<vmem_shared>> -> memref<80x128xf32, #tpu.memory_space<vmem_shared>>
        %dma_start3A_346 = arith.constant 0 : i32
        %dma_start3A_347 = arith.constant 0 : i32
        %dma_start3A_348 = tpu.memref_slice %arg14[%dma_start3A_346, %dma_start3A_347] : memref<80x128xf32, #tpu.memory_space<vmem>> -> memref<80x128xf32, #tpu.memory_space<vmem>>
        tpu.enqueue_dma source(%dma_start3A_348 : memref<80x128xf32, #tpu.memory_space<vmem>>) target(%dma_start3A_345 : memref<80x128xf32, #tpu.memory_space<vmem_shared>>) target_semaphore(%arg34 : memref<!tpu.dma_semaphore, #tpu.memory_space<semaphore_mem>>)
      } else {
      }
      %scan3A_336 = arith.constant 0 : i32
      scf.yield %scan3A_336 : i32
    }
    %scan3A_200 = arith.constant 8 : i32
    %scan3A_201 = arith.constant 0 : i32
    %scan3A_202 = arith.constant 0 : i32
    %scan3A_203 = arith.constant 8 : i32
    %scan3A_204 = arith.addi %scan3A_202, %scan3A_203 : i32
    %scan3A_205 = arith.constant 1 : i32
    %scan3A_206 = scf.for %scan3A_329 = %scan3A_202 to %scan3A_204 step %scan3A_205 iter_args(%scan3A_330 = %scan3A_201) -> (i32)  : i32 {
      %mul3A_331 = arith.constant 16 : i32
      %mul3A_332 = arith.muli %scan3A_329, %mul3A_331 : i32
      %add3A_333 = arith.addi %mul3A_332, %arg1 : i32
      %lt3A = arith.constant 125 : i32
      %lt3A_334 = arith.cmpi slt, %add3A_333, %lt3A : i32
      %convert_element_type3A = arith.extui %lt3A_334 : i1 to i32
      %cond3A = arith.constant 0 : i32
      %cond3A_335 = arith.cmpi ne, %convert_element_type3A, %cond3A : i32
      scf.if %cond3A_335 {
        %dma_wait3A_337 = arith.constant 0 : i32
        %dma_wait3A_338 = arith.constant 0 : i32
        %dma_wait3A_339 = tpu.memref_slice %arg14[%dma_wait3A_337, %dma_wait3A_338] : memref<80x128xf32, #tpu.memory_space<vmem>> -> memref<80x128xf32, #tpu.memory_space<vmem>>
        %dma_wait3A_340 = arith.constant 0 : i32
        %dma_wait3A_341 = arith.constant 0 : i32
        %dma_wait3A_342 = tpu.memref_slice %arg5[%dma_wait3A_340, %dma_wait3A_341] : memref<10008x128xf32, #tpu.memory_space<vmem_shared>> -> memref<80x128xf32, #tpu.memory_space<vmem_shared>>
        %dma_wait3A_343 = arith.constant 0 : i32
        %dma_wait3A_344 = arith.constant 0 : i32
        %dma_wait3A_345 = tpu.memref_slice %arg5[%dma_wait3A_343, %dma_wait3A_344] : memref<10008x128xf32, #tpu.memory_space<vmem_shared>> -> memref<80x128xf32, #tpu.memory_space<vmem_shared>>
        %dma_wait3A_346 = arith.constant 0 : i32
        %dma_wait3A_347 = arith.constant 0 : i32
        %dma_wait3A_348 = tpu.memref_slice %arg14[%dma_wait3A_346, %dma_wait3A_347] : memref<80x128xf32, #tpu.memory_space<vmem>> -> memref<80x128xf32, #tpu.memory_space<vmem>>
        tpu.wait_dma2 semaphore(%arg34 : memref<!tpu.dma_semaphore, #tpu.memory_space<semaphore_mem>>) src(%dma_wait3A_348 : memref<80x128xf32, #tpu.memory_space<vmem>>) dst(%dma_wait3A_345 : memref<80x128xf32, #tpu.memory_space<vmem_shared>>)
      } else {
      }
      %scan3A_336 = arith.constant 0 : i32
      scf.yield %scan3A_336 : i32
    }
    %scan3A_207 = arith.constant 8 : i32
    %dma_wait3A = arith.constant 0 : i32
    %dma_wait3A_208 = arith.constant 0 : i32
    %dma_wait3A_209 = tpu.memref_slice %arg6[%dma_wait3A, %dma_wait3A_208] : memref<2x80xi32, #tpu.memory_space<vmem>> -> memref<1x80xi32, #tpu.memory_space<vmem>>
    %dma_wait3A_210 = tpu.memref_squeeze %dma_wait3A_209 : memref<1x80xi32, #tpu.memory_space<vmem>> -> memref<80xi32, #tpu.memory_space<vmem>>
    %dma_wait3A_211 = tpu.memref_slice %arg3[%add3A] : memref<1280000xi32, #tpu.memory_space<hbm>> -> memref<80xi32, #tpu.memory_space<hbm>>
    %dma_wait3A_212 = arith.constant 0 : i32
    %dma_wait3A_213 = tpu.memref_slice %arg6[%dma_wait3A, %dma_wait3A_212] : memref<2x80xi32, #tpu.memory_space<vmem>> -> memref<1x80xi32, #tpu.memory_space<vmem>>
    %dma_wait3A_214 = tpu.memref_squeeze %dma_wait3A_213 : memref<1x80xi32, #tpu.memory_space<vmem>> -> memref<80xi32, #tpu.memory_space<vmem>>
    %dma_wait3A_215 = tpu.memref_slice %arg3[%add3A] : memref<1280000xi32, #tpu.memory_space<hbm>> -> memref<80xi32, #tpu.memory_space<hbm>>
    tpu.wait_dma2 semaphore(%arg18 : memref<!tpu.dma_semaphore, #tpu.memory_space<semaphore_mem>>) src(%dma_wait3A_215 : memref<80xi32, #tpu.memory_space<hbm>>) dst(%dma_wait3A_214 : memref<80xi32, #tpu.memory_space<vmem>>)
    %dma_wait3A_216 = arith.constant 1 : i32
    %dma_wait3A_217 = arith.constant 0 : i32
    %dma_wait3A_218 = tpu.memref_slice %arg6[%dma_wait3A_216, %dma_wait3A_217] : memref<2x80xi32, #tpu.memory_space<vmem>> -> memref<1x80xi32, #tpu.memory_space<vmem>>
    %dma_wait3A_219 = tpu.memref_squeeze %dma_wait3A_218 : memref<1x80xi32, #tpu.memory_space<vmem>> -> memref<80xi32, #tpu.memory_space<vmem>>
    %dma_wait3A_220 = tpu.memref_slice %arg3[%add3A_18] : memref<1280000xi32, #tpu.memory_space<hbm>> -> memref<80xi32, #tpu.memory_space<hbm>>
    %dma_wait3A_221 = arith.constant 0 : i32
    %dma_wait3A_222 = tpu.memref_slice %arg6[%dma_wait3A_216, %dma_wait3A_221] : memref<2x80xi32, #tpu.memory_space<vmem>> -> memref<1x80xi32, #tpu.memory_space<vmem>>
    %dma_wait3A_223 = tpu.memref_squeeze %dma_wait3A_222 : memref<1x80xi32, #tpu.memory_space<vmem>> -> memref<80xi32, #tpu.memory_space<vmem>>
    %dma_wait3A_224 = tpu.memref_slice %arg3[%add3A_18] : memref<1280000xi32, #tpu.memory_space<hbm>> -> memref<80xi32, #tpu.memory_space<hbm>>
    tpu.wait_dma2 semaphore(%arg18 : memref<!tpu.dma_semaphore, #tpu.memory_space<semaphore_mem>>) src(%dma_wait3A_224 : memref<80xi32, #tpu.memory_space<hbm>>) dst(%dma_wait3A_223 : memref<80xi32, #tpu.memory_space<vmem>>)
    %dma_start3A_225 = arith.constant 0 : i32
    %dma_start3A_226 = arith.constant 0 : i32
    %dma_start3A_227 = tpu.memref_slice %arg6[%dma_start3A_225, %dma_start3A_226] : memref<2x80xi32, #tpu.memory_space<vmem>> -> memref<1x80xi32, #tpu.memory_space<vmem>>
    %dma_start3A_228 = tpu.memref_squeeze %dma_start3A_227 : memref<1x80xi32, #tpu.memory_space<vmem>> -> memref<80xi32, #tpu.memory_space<vmem>>
    %dma_start3A_229 = arith.constant 0 : i32
    %dma_start3A_230 = arith.constant 0 : i32
    %dma_start3A_231 = tpu.memref_slice %arg2[%dma_start3A_229, %dma_start3A_230] : memref<10000x128xf32, #tpu.memory_space<hbm>> -> memref<10000x128xf32, #tpu.memory_space<hbm>>
    tpu.enqueue_indirect_dma source(%dma_start3A_231 : memref<10000x128xf32, #tpu.memory_space<hbm>>) target(%arg14 : memref<80x128xf32, #tpu.memory_space<vmem>>) offsets(%dma_start3A_228 : memref<80xi32, #tpu.memory_space<vmem>>) semaphore(%arg26 : memref<!tpu.dma_semaphore, #tpu.memory_space<semaphore_mem>>)
    %dma_wait3A_232 = arith.constant 0 : i32
    %dma_wait3A_233 = arith.constant 0 : i32
    %dma_wait3A_234 = tpu.memref_slice %arg7[%dma_wait3A_232, %dma_wait3A_233] : memref<2x80xi32, #tpu.memory_space<vmem>> -> memref<1x80xi32, #tpu.memory_space<vmem>>
    %dma_wait3A_235 = tpu.memref_squeeze %dma_wait3A_234 : memref<1x80xi32, #tpu.memory_space<vmem>> -> memref<80xi32, #tpu.memory_space<vmem>>
    %dma_wait3A_236 = tpu.memref_slice %arg3[%add3A] : memref<1280000xi32, #tpu.memory_space<hbm>> -> memref<80xi32, #tpu.memory_space<hbm>>
    %dma_wait3A_237 = arith.constant 0 : i32
    %dma_wait3A_238 = tpu.memref_slice %arg7[%dma_wait3A_232, %dma_wait3A_237] : memref<2x80xi32, #tpu.memory_space<vmem>> -> memref<1x80xi32, #tpu.memory_space<vmem>>
    %dma_wait3A_239 = tpu.memref_squeeze %dma_wait3A_238 : memref<1x80xi32, #tpu.memory_space<vmem>> -> memref<80xi32, #tpu.memory_space<vmem>>
    %dma_wait3A_240 = tpu.memref_slice %arg3[%add3A] : memref<1280000xi32, #tpu.memory_space<hbm>> -> memref<80xi32, #tpu.memory_space<hbm>>
    tpu.wait_dma2 semaphore(%arg19 : memref<!tpu.dma_semaphore, #tpu.memory_space<semaphore_mem>>) src(%dma_wait3A_240 : memref<80xi32, #tpu.memory_space<hbm>>) dst(%dma_wait3A_239 : memref<80xi32, #tpu.memory_space<vmem>>)
    %dma_wait3A_241 = arith.constant 1 : i32
    %dma_wait3A_242 = arith.constant 0 : i32
    %dma_wait3A_243 = tpu.memref_slice %arg7[%dma_wait3A_241, %dma_wait3A_242] : memref<2x80xi32, #tpu.memory_space<vmem>> -> memref<1x80xi32, #tpu.memory_space<vmem>>
    %dma_wait3A_244 = tpu.memref_squeeze %dma_wait3A_243 : memref<1x80xi32, #tpu.memory_space<vmem>> -> memref<80xi32, #tpu.memory_space<vmem>>
    %dma_wait3A_245 = tpu.memref_slice %arg3[%add3A_18] : memref<1280000xi32, #tpu.memory_space<hbm>> -> memref<80xi32, #tpu.memory_space<hbm>>
    %dma_wait3A_246 = arith.constant 0 : i32
    %dma_wait3A_247 = tpu.memref_slice %arg7[%dma_wait3A_241, %dma_wait3A_246] : memref<2x80xi32, #tpu.memory_space<vmem>> -> memref<1x80xi32, #tpu.memory_space<vmem>>
    %dma_wait3A_248 = tpu.memref_squeeze %dma_wait3A_247 : memref<1x80xi32, #tpu.memory_space<vmem>> -> memref<80xi32, #tpu.memory_space<vmem>>
    %dma_wait3A_249 = tpu.memref_slice %arg3[%add3A_18] : memref<1280000xi32, #tpu.memory_space<hbm>> -> memref<80xi32, #tpu.memory_space<hbm>>
    tpu.wait_dma2 semaphore(%arg19 : memref<!tpu.dma_semaphore, #tpu.memory_space<semaphore_mem>>) src(%dma_wait3A_249 : memref<80xi32, #tpu.memory_space<hbm>>) dst(%dma_wait3A_248 : memref<80xi32, #tpu.memory_space<vmem>>)
    %dma_start3A_250 = arith.constant 0 : i32
    %dma_start3A_251 = arith.constant 0 : i32
    %dma_start3A_252 = tpu.memref_slice %arg7[%dma_start3A_250, %dma_start3A_251] : memref<2x80xi32, #tpu.memory_space<vmem>> -> memref<1x80xi32, #tpu.memory_space<vmem>>
    %dma_start3A_253 = tpu.memref_squeeze %dma_start3A_252 : memref<1x80xi32, #tpu.memory_space<vmem>> -> memref<80xi32, #tpu.memory_space<vmem>>
    %dma_start3A_254 = arith.constant 0 : i32
    %dma_start3A_255 = arith.constant 0 : i32
    %dma_start3A_256 = tpu.memref_slice %arg2[%dma_start3A_254, %dma_start3A_255] : memref<10000x128xf32, #tpu.memory_space<hbm>> -> memref<10000x128xf32, #tpu.memory_space<hbm>>
    tpu.enqueue_indirect_dma source(%dma_start3A_256 : memref<10000x128xf32, #tpu.memory_space<hbm>>) target(%arg15 : memref<80x128xf32, #tpu.memory_space<vmem>>) offsets(%dma_start3A_253 : memref<80xi32, #tpu.memory_space<vmem>>) semaphore(%arg27 : memref<!tpu.dma_semaphore, #tpu.memory_space<semaphore_mem>>)
    %dma_wait3A_257 = arith.constant 0 : i32
    %dma_wait3A_258 = arith.constant 0 : i32
    %dma_wait3A_259 = tpu.memref_slice %arg8[%dma_wait3A_257, %dma_wait3A_258] : memref<2x80xi32, #tpu.memory_space<vmem>> -> memref<1x80xi32, #tpu.memory_space<vmem>>
    %dma_wait3A_260 = tpu.memref_squeeze %dma_wait3A_259 : memref<1x80xi32, #tpu.memory_space<vmem>> -> memref<80xi32, #tpu.memory_space<vmem>>
    %dma_wait3A_261 = tpu.memref_slice %arg3[%add3A] : memref<1280000xi32, #tpu.memory_space<hbm>> -> memref<80xi32, #tpu.memory_space<hbm>>
    %dma_wait3A_262 = arith.constant 0 : i32
    %dma_wait3A_263 = tpu.memref_slice %arg8[%dma_wait3A_257, %dma_wait3A_262] : memref<2x80xi32, #tpu.memory_space<vmem>> -> memref<1x80xi32, #tpu.memory_space<vmem>>
    %dma_wait3A_264 = tpu.memref_squeeze %dma_wait3A_263 : memref<1x80xi32, #tpu.memory_space<vmem>> -> memref<80xi32, #tpu.memory_space<vmem>>
    %dma_wait3A_265 = tpu.memref_slice %arg3[%add3A] : memref<1280000xi32, #tpu.memory_space<hbm>> -> memref<80xi32, #tpu.memory_space<hbm>>
    tpu.wait_dma2 semaphore(%arg20 : memref<!tpu.dma_semaphore, #tpu.memory_space<semaphore_mem>>) src(%dma_wait3A_265 : memref<80xi32, #tpu.memory_space<hbm>>) dst(%dma_wait3A_264 : memref<80xi32, #tpu.memory_space<vmem>>)
    %dma_wait3A_266 = arith.constant 1 : i32
    %dma_wait3A_267 = arith.constant 0 : i32
    %dma_wait3A_268 = tpu.memref_slice %arg8[%dma_wait3A_266, %dma_wait3A_267] : memref<2x80xi32, #tpu.memory_space<vmem>> -> memref<1x80xi32, #tpu.memory_space<vmem>>
    %dma_wait3A_269 = tpu.memref_squeeze %dma_wait3A_268 : memref<1x80xi32, #tpu.memory_space<vmem>> -> memref<80xi32, #tpu.memory_space<vmem>>
    %dma_wait3A_270 = tpu.memref_slice %arg3[%add3A_18] : memref<1280000xi32, #tpu.memory_space<hbm>> -> memref<80xi32, #tpu.memory_space<hbm>>
    %dma_wait3A_271 = arith.constant 0 : i32
    %dma_wait3A_272 = tpu.memref_slice %arg8[%dma_wait3A_266, %dma_wait3A_271] : memref<2x80xi32, #tpu.memory_space<vmem>> -> memref<1x80xi32, #tpu.memory_space<vmem>>
    %dma_wait3A_273 = tpu.memref_squeeze %dma_wait3A_272 : memref<1x80xi32, #tpu.memory_space<vmem>> -> memref<80xi32, #tpu.memory_space<vmem>>
    %dma_wait3A_274 = tpu.memref_slice %arg3[%add3A_18] : memref<1280000xi32, #tpu.memory_space<hbm>> -> memref<80xi32, #tpu.memory_space<hbm>>
    tpu.wait_dma2 semaphore(%arg20 : memref<!tpu.dma_semaphore, #tpu.memory_space<semaphore_mem>>) src(%dma_wait3A_274 : memref<80xi32, #tpu.memory_space<hbm>>) dst(%dma_wait3A_273 : memref<80xi32, #tpu.memory_space<vmem>>)
    %dma_start3A_275 = arith.constant 0 : i32
    %dma_start3A_276 = arith.constant 0 : i32
    %dma_start3A_277 = tpu.memref_slice %arg8[%dma_start3A_275, %dma_start3A_276] : memref<2x80xi32, #tpu.memory_space<vmem>> -> memref<1x80xi32, #tpu.memory_space<vmem>>
    %dma_start3A_278 = tpu.memref_squeeze %dma_start3A_277 : memref<1x80xi32, #tpu.memory_space<vmem>> -> memref<80xi32, #tpu.memory_space<vmem>>
    %dma_start3A_279 = arith.constant 0 : i32
    %dma_start3A_280 = arith.constant 0 : i32
    %dma_start3A_281 = tpu.memref_slice %arg2[%dma_start3A_279, %dma_start3A_280] : memref<10000x128xf32, #tpu.memory_space<hbm>> -> memref<10000x128xf32, #tpu.memory_space<hbm>>
    tpu.enqueue_indirect_dma source(%dma_start3A_281 : memref<10000x128xf32, #tpu.memory_space<hbm>>) target(%arg16 : memref<80x128xf32, #tpu.memory_space<vmem>>) offsets(%dma_start3A_278 : memref<80xi32, #tpu.memory_space<vmem>>) semaphore(%arg28 : memref<!tpu.dma_semaphore, #tpu.memory_space<semaphore_mem>>)
    %dma_wait3A_282 = arith.constant 0 : i32
    %dma_wait3A_283 = arith.constant 0 : i32
    %dma_wait3A_284 = tpu.memref_slice %arg9[%dma_wait3A_282, %dma_wait3A_283] : memref<2x80xi32, #tpu.memory_space<vmem>> -> memref<1x80xi32, #tpu.memory_space<vmem>>
    %dma_wait3A_285 = tpu.memref_squeeze %dma_wait3A_284 : memref<1x80xi32, #tpu.memory_space<vmem>> -> memref<80xi32, #tpu.memory_space<vmem>>
    %dma_wait3A_286 = tpu.memref_slice %arg3[%add3A] : memref<1280000xi32, #tpu.memory_space<hbm>> -> memref<80xi32, #tpu.memory_space<hbm>>
    %dma_wait3A_287 = arith.constant 0 : i32
    %dma_wait3A_288 = tpu.memref_slice %arg9[%dma_wait3A_282, %dma_wait3A_287] : memref<2x80xi32, #tpu.memory_space<vmem>> -> memref<1x80xi32, #tpu.memory_space<vmem>>
    %dma_wait3A_289 = tpu.memref_squeeze %dma_wait3A_288 : memref<1x80xi32, #tpu.memory_space<vmem>> -> memref<80xi32, #tpu.memory_space<vmem>>
    %dma_wait3A_290 = tpu.memref_slice %arg3[%add3A] : memref<1280000xi32, #tpu.memory_space<hbm>> -> memref<80xi32, #tpu.memory_space<hbm>>
    tpu.wait_dma2 semaphore(%arg21 : memref<!tpu.dma_semaphore, #tpu.memory_space<semaphore_mem>>) src(%dma_wait3A_290 : memref<80xi32, #tpu.memory_space<hbm>>) dst(%dma_wait3A_289 : memref<80xi32, #tpu.memory_space<vmem>>)
    %dma_wait3A_291 = arith.constant 1 : i32
    %dma_wait3A_292 = arith.constant 0 : i32
    %dma_wait3A_293 = tpu.memref_slice %arg9[%dma_wait3A_291, %dma_wait3A_292] : memref<2x80xi32, #tpu.memory_space<vmem>> -> memref<1x80xi32, #tpu.memory_space<vmem>>
    %dma_wait3A_294 = tpu.memref_squeeze %dma_wait3A_293 : memref<1x80xi32, #tpu.memory_space<vmem>> -> memref<80xi32, #tpu.memory_space<vmem>>
    %dma_wait3A_295 = tpu.memref_slice %arg3[%add3A_18] : memref<1280000xi32, #tpu.memory_space<hbm>> -> memref<80xi32, #tpu.memory_space<hbm>>
    %dma_wait3A_296 = arith.constant 0 : i32
    %dma_wait3A_297 = tpu.memref_slice %arg9[%dma_wait3A_291, %dma_wait3A_296] : memref<2x80xi32, #tpu.memory_space<vmem>> -> memref<1x80xi32, #tpu.memory_space<vmem>>
    %dma_wait3A_298 = tpu.memref_squeeze %dma_wait3A_297 : memref<1x80xi32, #tpu.memory_space<vmem>> -> memref<80xi32, #tpu.memory_space<vmem>>
    %dma_wait3A_299 = tpu.memref_slice %arg3[%add3A_18] : memref<1280000xi32, #tpu.memory_space<hbm>> -> memref<80xi32, #tpu.memory_space<hbm>>
    tpu.wait_dma2 semaphore(%arg21 : memref<!tpu.dma_semaphore, #tpu.memory_space<semaphore_mem>>) src(%dma_wait3A_299 : memref<80xi32, #tpu.memory_space<hbm>>) dst(%dma_wait3A_298 : memref<80xi32, #tpu.memory_space<vmem>>)
    %dma_start3A_300 = arith.constant 0 : i32
    %dma_start3A_301 = arith.constant 0 : i32
    %dma_start3A_302 = tpu.memref_slice %arg9[%dma_start3A_300, %dma_start3A_301] : memref<2x80xi32, #tpu.memory_space<vmem>> -> memref<1x80xi32, #tpu.memory_space<vmem>>
    %dma_start3A_303 = tpu.memref_squeeze %dma_start3A_302 : memref<1x80xi32, #tpu.memory_space<vmem>> -> memref<80xi32, #tpu.memory_space<vmem>>
    %dma_start3A_304 = arith.constant 0 : i32
    %dma_start3A_305 = arith.constant 0 : i32
    %dma_start3A_306 = tpu.memref_slice %arg2[%dma_start3A_304, %dma_start3A_305] : memref<10000x128xf32, #tpu.memory_space<hbm>> -> memref<10000x128xf32, #tpu.memory_space<hbm>>
    tpu.enqueue_indirect_dma source(%dma_start3A_306 : memref<10000x128xf32, #tpu.memory_space<hbm>>) target(%arg17 : memref<80x128xf32, #tpu.memory_space<vmem>>) offsets(%dma_start3A_303 : memref<80xi32, #tpu.memory_space<vmem>>) semaphore(%arg29 : memref<!tpu.dma_semaphore, #tpu.memory_space<semaphore_mem>>)
    %barrier3A = arith.constant 0 : index
    tpu.barrier barrier_id(%barrier3A)
    %scan3A_307 = arith.constant 0 : i32
    %scan3A_308 = arith.constant 32 : i32
    %scan3A_309 = arith.addi %scan3A_307, %scan3A_308 : i32
    %scan3A_310 = arith.constant 1 : i32
    scf.for %scan3A_329 = %scan3A_307 to %scan3A_309 step %scan3A_310  : i32 {
      %mul3A_330 = arith.constant 1 : i32
      %mul3A_331 = arith.muli %scan3A_329, %mul3A_330 : i32
      %add3A_332 = arith.constant 0 : i32
      %add3A_333 = arith.addi %add3A_332, %mul3A_331 : i32
      %mul3A_334 = arith.constant 8 : i32
      %mul3A_335 = arith.muli %add3A_333, %mul3A_334 : i32
      %add3A_336 = arith.constant 0 : i32
      %add3A_337 = arith.addi %mul3A_335, %add3A_336 : i32
      %add3A_338 = arith.constant 0 : i32
      %add3A_339 = arith.addi %add3A_337, %add3A_338 : i32
      %lt3A = arith.constant 250 : i32
      %lt3A_340 = arith.cmpi slt, %add3A_339, %lt3A : i32
      %convert_element_type3A = arith.extui %lt3A_340 : i1 to i32
      %cond3A = arith.constant 0 : i32
      %cond3A_341 = arith.cmpi ne, %convert_element_type3A, %cond3A : i32
      scf.if %cond3A_341 {
        %dma_wait3A_589 = arith.constant 0 : i32
        %dma_wait3A_590 = arith.constant 0 : i32
        %dma_wait3A_591 = tpu.memref_slice %arg6[%dma_wait3A_589, %dma_wait3A_590] : memref<2x80xi32, #tpu.memory_space<vmem>> -> memref<1x80xi32, #tpu.memory_space<vmem>>
        %dma_wait3A_592 = tpu.memref_squeeze %dma_wait3A_591 : memref<1x80xi32, #tpu.memory_space<vmem>> -> memref<80xi32, #tpu.memory_space<vmem>>
        %dma_wait3A_593 = arith.constant 0 : i32
        %dma_wait3A_594 = arith.constant 0 : i32
        %dma_wait3A_595 = tpu.memref_slice %arg2[%dma_wait3A_593, %dma_wait3A_594] : memref<10000x128xf32, #tpu.memory_space<hbm>> -> memref<10000x128xf32, #tpu.memory_space<hbm>>
        tpu.wait_indirect_dma semaphore(%arg26 : memref<!tpu.dma_semaphore, #tpu.memory_space<semaphore_mem>>) src(%dma_wait3A_595 : memref<10000x128xf32, #tpu.memory_space<hbm>>) dst(%arg14 : memref<80x128xf32, #tpu.memory_space<vmem>>)
        %dma_start3A_596 = arith.constant 1 : i32
        %dma_start3A_597 = arith.constant 0 : i32
        %dma_start3A_598 = tpu.memref_slice %arg6[%dma_start3A_596, %dma_start3A_597] : memref<2x80xi32, #tpu.memory_space<vmem>> -> memref<1x80xi32, #tpu.memory_space<vmem>>
        %dma_start3A_599 = tpu.memref_squeeze %dma_start3A_598 : memref<1x80xi32, #tpu.memory_space<vmem>> -> memref<80xi32, #tpu.memory_space<vmem>>
        %dma_start3A_600 = arith.constant 0 : i32
        %dma_start3A_601 = arith.constant 0 : i32
        %dma_start3A_602 = tpu.memref_slice %arg5[%dma_start3A_600, %dma_start3A_601] : memref<10008x128xf32, #tpu.memory_space<vmem_shared>> -> memref<10008x128xf32, #tpu.memory_space<vmem_shared>>
        tpu.enqueue_indirect_dma source(%arg14 : memref<80x128xf32, #tpu.memory_space<vmem>>) target(%dma_start3A_602 : memref<10008x128xf32, #tpu.memory_space<vmem_shared>>) offsets(%dma_start3A_599 : memref<80xi32, #tpu.memory_space<vmem>>) semaphore(%arg30 : memref<!tpu.dma_semaphore, #tpu.memory_space<semaphore_mem>>) {add = true}
      } else {
      }
      %add3A_342 = arith.constant 0 : i32
      %add3A_343 = arith.addi %mul3A_335, %add3A_342 : i32
      %add3A_344 = arith.constant 1 : i32
      %add3A_345 = arith.addi %add3A_343, %add3A_344 : i32
      %lt3A_346 = arith.constant 250 : i32
      %lt3A_347 = arith.cmpi slt, %add3A_345, %lt3A_346 : i32
      %convert_element_type3A_348 = arith.extui %lt3A_347 : i1 to i32
      %cond3A_349 = arith.constant 0 : i32
      %cond3A_350 = arith.cmpi ne, %convert_element_type3A_348, %cond3A_349 : i32
      scf.if %cond3A_350 {
        %dma_wait3A_589 = arith.constant 0 : i32
        %dma_wait3A_590 = arith.constant 0 : i32
        %dma_wait3A_591 = tpu.memref_slice %arg7[%dma_wait3A_589, %dma_wait3A_590] : memref<2x80xi32, #tpu.memory_space<vmem>> -> memref<1x80xi32, #tpu.memory_space<vmem>>
        %dma_wait3A_592 = tpu.memref_squeeze %dma_wait3A_591 : memref<1x80xi32, #tpu.memory_space<vmem>> -> memref<80xi32, #tpu.memory_space<vmem>>
        %dma_wait3A_593 = arith.constant 0 : i32
        %dma_wait3A_594 = arith.constant 0 : i32
        %dma_wait3A_595 = tpu.memref_slice %arg2[%dma_wait3A_593, %dma_wait3A_594] : memref<10000x128xf32, #tpu.memory_space<hbm>> -> memref<10000x128xf32, #tpu.memory_space<hbm>>
        tpu.wait_indirect_dma semaphore(%arg27 : memref<!tpu.dma_semaphore, #tpu.memory_space<semaphore_mem>>) src(%dma_wait3A_595 : memref<10000x128xf32, #tpu.memory_space<hbm>>) dst(%arg15 : memref<80x128xf32, #tpu.memory_space<vmem>>)
        %dma_start3A_596 = arith.constant 1 : i32
        %dma_start3A_597 = arith.constant 0 : i32
        %dma_start3A_598 = tpu.memref_slice %arg7[%dma_start3A_596, %dma_start3A_597] : memref<2x80xi32, #tpu.memory_space<vmem>> -> memref<1x80xi32, #tpu.memory_space<vmem>>
        %dma_start3A_599 = tpu.memref_squeeze %dma_start3A_598 : memref<1x80xi32, #tpu.memory_space<vmem>> -> memref<80xi32, #tpu.memory_space<vmem>>
        %dma_start3A_600 = arith.constant 0 : i32
        %dma_start3A_601 = arith.constant 0 : i32
        %dma_start3A_602 = tpu.memref_slice %arg5[%dma_start3A_600, %dma_start3A_601] : memref<10008x128xf32, #tpu.memory_space<vmem_shared>> -> memref<10008x128xf32, #tpu.memory_space<vmem_shared>>
        tpu.enqueue_indirect_dma source(%arg15 : memref<80x128xf32, #tpu.memory_space<vmem>>) target(%dma_start3A_602 : memref<10008x128xf32, #tpu.memory_space<vmem_shared>>) offsets(%dma_start3A_599 : memref<80xi32, #tpu.memory_space<vmem>>) semaphore(%arg31 : memref<!tpu.dma_semaphore, #tpu.memory_space<semaphore_mem>>) {add = true}
      } else {
      }
      %add3A_351 = arith.constant 0 : i32
      %add3A_352 = arith.addi %mul3A_335, %add3A_351 : i32
      %add3A_353 = arith.constant 2 : i32
      %add3A_354 = arith.addi %add3A_352, %add3A_353 : i32
      %lt3A_355 = arith.constant 250 : i32
      %lt3A_356 = arith.cmpi slt, %add3A_354, %lt3A_355 : i32
      %convert_element_type3A_357 = arith.extui %lt3A_356 : i1 to i32
      %cond3A_358 = arith.constant 0 : i32
      %cond3A_359 = arith.cmpi ne, %convert_element_type3A_357, %cond3A_358 : i32
      scf.if %cond3A_359 {
        %dma_wait3A_589 = arith.constant 0 : i32
        %dma_wait3A_590 = arith.constant 0 : i32
        %dma_wait3A_591 = tpu.memref_slice %arg8[%dma_wait3A_589, %dma_wait3A_590] : memref<2x80xi32, #tpu.memory_space<vmem>> -> memref<1x80xi32, #tpu.memory_space<vmem>>
        %dma_wait3A_592 = tpu.memref_squeeze %dma_wait3A_591 : memref<1x80xi32, #tpu.memory_space<vmem>> -> memref<80xi32, #tpu.memory_space<vmem>>
        %dma_wait3A_593 = arith.constant 0 : i32
        %dma_wait3A_594 = arith.constant 0 : i32
        %dma_wait3A_595 = tpu.memref_slice %arg2[%dma_wait3A_593, %dma_wait3A_594] : memref<10000x128xf32, #tpu.memory_space<hbm>> -> memref<10000x128xf32, #tpu.memory_space<hbm>>
        tpu.wait_indirect_dma semaphore(%arg28 : memref<!tpu.dma_semaphore, #tpu.memory_space<semaphore_mem>>) src(%dma_wait3A_595 : memref<10000x128xf32, #tpu.memory_space<hbm>>) dst(%arg16 : memref<80x128xf32, #tpu.memory_space<vmem>>)
        %dma_start3A_596 = arith.constant 1 : i32
        %dma_start3A_597 = arith.constant 0 : i32
        %dma_start3A_598 = tpu.memref_slice %arg8[%dma_start3A_596, %dma_start3A_597] : memref<2x80xi32, #tpu.memory_space<vmem>> -> memref<1x80xi32, #tpu.memory_space<vmem>>
        %dma_start3A_599 = tpu.memref_squeeze %dma_start3A_598 : memref<1x80xi32, #tpu.memory_space<vmem>> -> memref<80xi32, #tpu.memory_space<vmem>>
        %dma_start3A_600 = arith.constant 0 : i32
        %dma_start3A_601 = arith.constant 0 : i32
        %dma_start3A_602 = tpu.memref_slice %arg5[%dma_start3A_600, %dma_start3A_601] : memref<10008x128xf32, #tpu.memory_space<vmem_shared>> -> memref<10008x128xf32, #tpu.memory_space<vmem_shared>>
        tpu.enqueue_indirect_dma source(%arg16 : memref<80x128xf32, #tpu.memory_space<vmem>>) target(%dma_start3A_602 : memref<10008x128xf32, #tpu.memory_space<vmem_shared>>) offsets(%dma_start3A_599 : memref<80xi32, #tpu.memory_space<vmem>>) semaphore(%arg32 : memref<!tpu.dma_semaphore, #tpu.memory_space<semaphore_mem>>) {add = true}
      } else {
      }
      %add3A_360 = arith.constant 0 : i32
      %add3A_361 = arith.addi %mul3A_335, %add3A_360 : i32
      %add3A_362 = arith.constant 3 : i32
      %add3A_363 = arith.addi %add3A_361, %add3A_362 : i32
      %lt3A_364 = arith.constant 250 : i32
      %lt3A_365 = arith.cmpi slt, %add3A_363, %lt3A_364 : i32
      %convert_element_type3A_366 = arith.extui %lt3A_365 : i1 to i32
      %cond3A_367 = arith.constant 0 : i32
      %cond3A_368 = arith.cmpi ne, %convert_element_type3A_366, %cond3A_367 : i32
      scf.if %cond3A_368 {
        %dma_wait3A_589 = arith.constant 0 : i32
        %dma_wait3A_590 = arith.constant 0 : i32
        %dma_wait3A_591 = tpu.memref_slice %arg9[%dma_wait3A_589, %dma_wait3A_590] : memref<2x80xi32, #tpu.memory_space<vmem>> -> memref<1x80xi32, #tpu.memory_space<vmem>>
        %dma_wait3A_592 = tpu.memref_squeeze %dma_wait3A_591 : memref<1x80xi32, #tpu.memory_space<vmem>> -> memref<80xi32, #tpu.memory_space<vmem>>
        %dma_wait3A_593 = arith.constant 0 : i32
        %dma_wait3A_594 = arith.constant 0 : i32
        %dma_wait3A_595 = tpu.memref_slice %arg2[%dma_wait3A_593, %dma_wait3A_594] : memref<10000x128xf32, #tpu.memory_space<hbm>> -> memref<10000x128xf32, #tpu.memory_space<hbm>>
        tpu.wait_indirect_dma semaphore(%arg29 : memref<!tpu.dma_semaphore, #tpu.memory_space<semaphore_mem>>) src(%dma_wait3A_595 : memref<10000x128xf32, #tpu.memory_space<hbm>>) dst(%arg17 : memref<80x128xf32, #tpu.memory_space<vmem>>)
        %dma_start3A_596 = arith.constant 1 : i32
        %dma_start3A_597 = arith.constant 0 : i32
        %dma_start3A_598 = tpu.memref_slice %arg9[%dma_start3A_596, %dma_start3A_597] : memref<2x80xi32, #tpu.memory_space<vmem>> -> memref<1x80xi32, #tpu.memory_space<vmem>>
        %dma_start3A_599 = tpu.memref_squeeze %dma_start3A_598 : memref<1x80xi32, #tpu.memory_space<vmem>> -> memref<80xi32, #tpu.memory_space<vmem>>
        %dma_start3A_600 = arith.constant 0 : i32
        %dma_start3A_601 = arith.constant 0 : i32
        %dma_start3A_602 = tpu.memref_slice %arg5[%dma_start3A_600, %dma_start3A_601] : memref<10008x128xf32, #tpu.memory_space<vmem_shared>> -> memref<10008x128xf32, #tpu.memory_space<vmem_shared>>
        tpu.enqueue_indirect_dma source(%arg17 : memref<80x128xf32, #tpu.memory_space<vmem>>) target(%dma_start3A_602 : memref<10008x128xf32, #tpu.memory_space<vmem_shared>>) offsets(%dma_start3A_599 : memref<80xi32, #tpu.memory_space<vmem>>) semaphore(%arg33 : memref<!tpu.dma_semaphore, #tpu.memory_space<semaphore_mem>>) {add = true}
      } else {
      }
      %add3A_369 = arith.constant 0 : i32
      %add3A_370 = arith.addi %mul3A_335, %add3A_369 : i32
      %add3A_371 = arith.constant 0 : i32
      %add3A_372 = arith.addi %add3A_370, %add3A_371 : i32
      %add3A_373 = arith.constant 8 : i32
      %add3A_374 = arith.addi %add3A_372, %add3A_373 : i32
      %add3A_375 = arith.constant 4 : i32
      %add3A_376 = arith.addi %add3A_372, %add3A_375 : i32
      %lt3A_377 = arith.constant 250 : i32
      %lt3A_378 = arith.cmpi slt, %add3A_372, %lt3A_377 : i32
      %convert_element_type3A_379 = arith.extui %lt3A_378 : i1 to i32
      %cond3A_380 = arith.constant 0 : i32
      %cond3A_381 = arith.cmpi ne, %convert_element_type3A_379, %cond3A_380 : i32
      scf.if %cond3A_381 {
        %dma_wait3A_589 = arith.constant 1 : i32
        %dma_wait3A_590 = arith.constant 0 : i32
        %dma_wait3A_591 = tpu.memref_slice %arg6[%dma_wait3A_589, %dma_wait3A_590] : memref<2x80xi32, #tpu.memory_space<vmem>> -> memref<1x80xi32, #tpu.memory_space<vmem>>
        %dma_wait3A_592 = tpu.memref_squeeze %dma_wait3A_591 : memref<1x80xi32, #tpu.memory_space<vmem>> -> memref<80xi32, #tpu.memory_space<vmem>>
        %dma_wait3A_593 = arith.constant 0 : i32
        %dma_wait3A_594 = arith.constant 0 : i32
        %dma_wait3A_595 = tpu.memref_slice %arg5[%dma_wait3A_593, %dma_wait3A_594] : memref<10008x128xf32, #tpu.memory_space<vmem_shared>> -> memref<10008x128xf32, #tpu.memory_space<vmem_shared>>
        tpu.wait_indirect_dma semaphore(%arg30 : memref<!tpu.dma_semaphore, #tpu.memory_space<semaphore_mem>>) src(%arg14 : memref<80x128xf32, #tpu.memory_space<vmem>>) dst(%dma_wait3A_595 : memref<10008x128xf32, #tpu.memory_space<vmem_shared>>)
      } else {
      }
      %lt3A_382 = arith.constant 250 : i32
      %lt3A_383 = arith.cmpi slt, %add3A_374, %lt3A_382 : i32
      %convert_element_type3A_384 = arith.extui %lt3A_383 : i1 to i32
      %cond3A_385 = arith.constant 0 : i32
      %cond3A_386 = arith.cmpi ne, %convert_element_type3A_384, %cond3A_385 : i32
      scf.if %cond3A_386 {
        %mul3A_589 = arith.constant 80 : i32
        %mul3A_590 = arith.muli %add3A_374, %mul3A_589 : i32
        %add3A_591 = arith.addi %add3A, %mul3A_590 : i32
        %dma_start3A_592 = arith.constant 0 : i32
        %dma_start3A_593 = arith.constant 0 : i32
        %dma_start3A_594 = tpu.memref_slice %arg6[%dma_start3A_592, %dma_start3A_593] : memref<2x80xi32, #tpu.memory_space<vmem>> -> memref<1x80xi32, #tpu.memory_space<vmem>>
        %dma_start3A_595 = tpu.memref_squeeze %dma_start3A_594 : memref<1x80xi32, #tpu.memory_space<vmem>> -> memref<80xi32, #tpu.memory_space<vmem>>
        %dma_start3A_596 = tpu.memref_slice %arg3[%add3A_591] : memref<1280000xi32, #tpu.memory_space<hbm>> -> memref<80xi32, #tpu.memory_space<hbm>>
        %dma_start3A_597 = arith.constant 0 : i32
        %dma_start3A_598 = tpu.memref_slice %arg6[%dma_start3A_592, %dma_start3A_597] : memref<2x80xi32, #tpu.memory_space<vmem>> -> memref<1x80xi32, #tpu.memory_space<vmem>>
        %dma_start3A_599 = tpu.memref_squeeze %dma_start3A_598 : memref<1x80xi32, #tpu.memory_space<vmem>> -> memref<80xi32, #tpu.memory_space<vmem>>
        %dma_start3A_600 = tpu.memref_slice %arg3[%add3A_591] : memref<1280000xi32, #tpu.memory_space<hbm>> -> memref<80xi32, #tpu.memory_space<hbm>>
        tpu.enqueue_dma source(%dma_start3A_600 : memref<80xi32, #tpu.memory_space<hbm>>) target(%dma_start3A_599 : memref<80xi32, #tpu.memory_space<vmem>>) target_semaphore(%arg18 : memref<!tpu.dma_semaphore, #tpu.memory_space<semaphore_mem>>)
        %add3A_601 = arith.addi %add3A_18, %mul3A_590 : i32
        %dma_start3A_602 = arith.constant 1 : i32
        %dma_start3A_603 = arith.constant 0 : i32
        %dma_start3A_604 = tpu.memref_slice %arg6[%dma_start3A_602, %dma_start3A_603] : memref<2x80xi32, #tpu.memory_space<vmem>> -> memref<1x80xi32, #tpu.memory_space<vmem>>
        %dma_start3A_605 = tpu.memref_squeeze %dma_start3A_604 : memref<1x80xi32, #tpu.memory_space<vmem>> -> memref<80xi32, #tpu.memory_space<vmem>>
        %dma_start3A_606 = tpu.memref_slice %arg3[%add3A_601] : memref<1280000xi32, #tpu.memory_space<hbm>> -> memref<80xi32, #tpu.memory_space<hbm>>
        %dma_start3A_607 = arith.constant 0 : i32
        %dma_start3A_608 = tpu.memref_slice %arg6[%dma_start3A_602, %dma_start3A_607] : memref<2x80xi32, #tpu.memory_space<vmem>> -> memref<1x80xi32, #tpu.memory_space<vmem>>
        %dma_start3A_609 = tpu.memref_squeeze %dma_start3A_608 : memref<1x80xi32, #tpu.memory_space<vmem>> -> memref<80xi32, #tpu.memory_space<vmem>>
        %dma_start3A_610 = tpu.memref_slice %arg3[%add3A_601] : memref<1280000xi32, #tpu.memory_space<hbm>> -> memref<80xi32, #tpu.memory_space<hbm>>
        tpu.enqueue_dma source(%dma_start3A_610 : memref<80xi32, #tpu.memory_space<hbm>>) target(%dma_start3A_609 : memref<80xi32, #tpu.memory_space<vmem>>) target_semaphore(%arg18 : memref<!tpu.dma_semaphore, #tpu.memory_space<semaphore_mem>>)
      } else {
      }
      %lt3A_387 = arith.constant 250 : i32
      %lt3A_388 = arith.cmpi slt, %add3A_376, %lt3A_387 : i32
      %convert_element_type3A_389 = arith.extui %lt3A_388 : i1 to i32
      %cond3A_390 = arith.constant 0 : i32
      %cond3A_391 = arith.cmpi ne, %convert_element_type3A_389, %cond3A_390 : i32
      scf.if %cond3A_391 {
        %dma_wait3A_589 = arith.constant 0 : i32
        %dma_wait3A_590 = arith.constant 0 : i32
        %dma_wait3A_591 = tpu.memref_slice %arg10[%dma_wait3A_589, %dma_wait3A_590] : memref<2x80xi32, #tpu.memory_space<vmem>> -> memref<1x80xi32, #tpu.memory_space<vmem>>
        %dma_wait3A_592 = tpu.memref_squeeze %dma_wait3A_591 : memref<1x80xi32, #tpu.memory_space<vmem>> -> memref<80xi32, #tpu.memory_space<vmem>>
        %dma_wait3A_593 = tpu.memref_slice %arg3[%add3A] : memref<1280000xi32, #tpu.memory_space<hbm>> -> memref<80xi32, #tpu.memory_space<hbm>>
        %dma_wait3A_594 = arith.constant 0 : i32
        %dma_wait3A_595 = tpu.memref_slice %arg10[%dma_wait3A_589, %dma_wait3A_594] : memref<2x80xi32, #tpu.memory_space<vmem>> -> memref<1x80xi32, #tpu.memory_space<vmem>>
        %dma_wait3A_596 = tpu.memref_squeeze %dma_wait3A_595 : memref<1x80xi32, #tpu.memory_space<vmem>> -> memref<80xi32, #tpu.memory_space<vmem>>
        %dma_wait3A_597 = tpu.memref_slice %arg3[%add3A] : memref<1280000xi32, #tpu.memory_space<hbm>> -> memref<80xi32, #tpu.memory_space<hbm>>
        tpu.wait_dma2 semaphore(%arg22 : memref<!tpu.dma_semaphore, #tpu.memory_space<semaphore_mem>>) src(%dma_wait3A_597 : memref<80xi32, #tpu.memory_space<hbm>>) dst(%dma_wait3A_596 : memref<80xi32, #tpu.memory_space<vmem>>)
        %dma_wait3A_598 = arith.constant 1 : i32
        %dma_wait3A_599 = arith.constant 0 : i32
        %dma_wait3A_600 = tpu.memref_slice %arg10[%dma_wait3A_598, %dma_wait3A_599] : memref<2x80xi32, #tpu.memory_space<vmem>> -> memref<1x80xi32, #tpu.memory_space<vmem>>
        %dma_wait3A_601 = tpu.memref_squeeze %dma_wait3A_600 : memref<1x80xi32, #tpu.memory_space<vmem>> -> memref<80xi32, #tpu.memory_space<vmem>>
        %dma_wait3A_602 = tpu.memref_slice %arg3[%add3A_18] : memref<1280000xi32, #tpu.memory_space<hbm>> -> memref<80xi32, #tpu.memory_space<hbm>>
        %dma_wait3A_603 = arith.constant 0 : i32
        %dma_wait3A_604 = tpu.memref_slice %arg10[%dma_wait3A_598, %dma_wait3A_603] : memref<2x80xi32, #tpu.memory_space<vmem>> -> memref<1x80xi32, #tpu.memory_space<vmem>>
        %dma_wait3A_605 = tpu.memref_squeeze %dma_wait3A_604 : memref<1x80xi32, #tpu.memory_space<vmem>> -> memref<80xi32, #tpu.memory_space<vmem>>
        %dma_wait3A_606 = tpu.memref_slice %arg3[%add3A_18] : memref<1280000xi32, #tpu.memory_space<hbm>> -> memref<80xi32, #tpu.memory_space<hbm>>
        tpu.wait_dma2 semaphore(%arg22 : memref<!tpu.dma_semaphore, #tpu.memory_space<semaphore_mem>>) src(%dma_wait3A_606 : memref<80xi32, #tpu.memory_space<hbm>>) dst(%dma_wait3A_605 : memref<80xi32, #tpu.memory_space<vmem>>)
        %dma_start3A_607 = arith.constant 0 : i32
        %dma_start3A_608 = arith.constant 0 : i32
        %dma_start3A_609 = tpu.memref_slice %arg10[%dma_start3A_607, %dma_start3A_608] : memref<2x80xi32, #tpu.memory_space<vmem>> -> memref<1x80xi32, #tpu.memory_space<vmem>>
        %dma_start3A_610 = tpu.memref_squeeze %dma_start3A_609 : memref<1x80xi32, #tpu.memory_space<vmem>> -> memref<80xi32, #tpu.memory_space<vmem>>
        %dma_start3A_611 = arith.constant 0 : i32
        %dma_start3A_612 = arith.constant 0 : i32
        %dma_start3A_613 = tpu.memref_slice %arg2[%dma_start3A_611, %dma_start3A_612] : memref<10000x128xf32, #tpu.memory_space<hbm>> -> memref<10000x128xf32, #tpu.memory_space<hbm>>
        tpu.enqueue_indirect_dma source(%dma_start3A_613 : memref<10000x128xf32, #tpu.memory_space<hbm>>) target(%arg14 : memref<80x128xf32, #tpu.memory_space<vmem>>) offsets(%dma_start3A_610 : memref<80xi32, #tpu.memory_space<vmem>>) semaphore(%arg26 : memref<!tpu.dma_semaphore, #tpu.memory_space<semaphore_mem>>)
      } else {
      }
      %add3A_392 = arith.constant 0 : i32
      %add3A_393 = arith.addi %mul3A_335, %add3A_392 : i32
      %add3A_394 = arith.constant 1 : i32
      %add3A_395 = arith.addi %add3A_393, %add3A_394 : i32
      %add3A_396 = arith.constant 8 : i32
      %add3A_397 = arith.addi %add3A_395, %add3A_396 : i32
      %add3A_398 = arith.constant 4 : i32
      %add3A_399 = arith.addi %add3A_395, %add3A_398 : i32
      %lt3A_400 = arith.constant 250 : i32
      %lt3A_401 = arith.cmpi slt, %add3A_395, %lt3A_400 : i32
      %convert_element_type3A_402 = arith.extui %lt3A_401 : i1 to i32
      %cond3A_403 = arith.constant 0 : i32
      %cond3A_404 = arith.cmpi ne, %convert_element_type3A_402, %cond3A_403 : i32
      scf.if %cond3A_404 {
        %dma_wait3A_589 = arith.constant 1 : i32
        %dma_wait3A_590 = arith.constant 0 : i32
        %dma_wait3A_591 = tpu.memref_slice %arg7[%dma_wait3A_589, %dma_wait3A_590] : memref<2x80xi32, #tpu.memory_space<vmem>> -> memref<1x80xi32, #tpu.memory_space<vmem>>
        %dma_wait3A_592 = tpu.memref_squeeze %dma_wait3A_591 : memref<1x80xi32, #tpu.memory_space<vmem>> -> memref<80xi32, #tpu.memory_space<vmem>>
        %dma_wait3A_593 = arith.constant 0 : i32
        %dma_wait3A_594 = arith.constant 0 : i32
        %dma_wait3A_595 = tpu.memref_slice %arg5[%dma_wait3A_593, %dma_wait3A_594] : memref<10008x128xf32, #tpu.memory_space<vmem_shared>> -> memref<10008x128xf32, #tpu.memory_space<vmem_shared>>
        tpu.wait_indirect_dma semaphore(%arg31 : memref<!tpu.dma_semaphore, #tpu.memory_space<semaphore_mem>>) src(%arg15 : memref<80x128xf32, #tpu.memory_space<vmem>>) dst(%dma_wait3A_595 : memref<10008x128xf32, #tpu.memory_space<vmem_shared>>)
      } else {
      }
      %lt3A_405 = arith.constant 250 : i32
      %lt3A_406 = arith.cmpi slt, %add3A_397, %lt3A_405 : i32
      %convert_element_type3A_407 = arith.extui %lt3A_406 : i1 to i32
      %cond3A_408 = arith.constant 0 : i32
      %cond3A_409 = arith.cmpi ne, %convert_element_type3A_407, %cond3A_408 : i32
      scf.if %cond3A_409 {
        %mul3A_589 = arith.constant 80 : i32
        %mul3A_590 = arith.muli %add3A_397, %mul3A_589 : i32
        %add3A_591 = arith.addi %add3A, %mul3A_590 : i32
        %dma_start3A_592 = arith.constant 0 : i32
        %dma_start3A_593 = arith.constant 0 : i32
        %dma_start3A_594 = tpu.memref_slice %arg7[%dma_start3A_592, %dma_start3A_593] : memref<2x80xi32, #tpu.memory_space<vmem>> -> memref<1x80xi32, #tpu.memory_space<vmem>>
        %dma_start3A_595 = tpu.memref_squeeze %dma_start3A_594 : memref<1x80xi32, #tpu.memory_space<vmem>> -> memref<80xi32, #tpu.memory_space<vmem>>
        %dma_start3A_596 = tpu.memref_slice %arg3[%add3A_591] : memref<1280000xi32, #tpu.memory_space<hbm>> -> memref<80xi32, #tpu.memory_space<hbm>>
        %dma_start3A_597 = arith.constant 0 : i32
        %dma_start3A_598 = tpu.memref_slice %arg7[%dma_start3A_592, %dma_start3A_597] : memref<2x80xi32, #tpu.memory_space<vmem>> -> memref<1x80xi32, #tpu.memory_space<vmem>>
        %dma_start3A_599 = tpu.memref_squeeze %dma_start3A_598 : memref<1x80xi32, #tpu.memory_space<vmem>> -> memref<80xi32, #tpu.memory_space<vmem>>
        %dma_start3A_600 = tpu.memref_slice %arg3[%add3A_591] : memref<1280000xi32, #tpu.memory_space<hbm>> -> memref<80xi32, #tpu.memory_space<hbm>>
        tpu.enqueue_dma source(%dma_start3A_600 : memref<80xi32, #tpu.memory_space<hbm>>) target(%dma_start3A_599 : memref<80xi32, #tpu.memory_space<vmem>>) target_semaphore(%arg19 : memref<!tpu.dma_semaphore, #tpu.memory_space<semaphore_mem>>)
        %add3A_601 = arith.addi %add3A_18, %mul3A_590 : i32
        %dma_start3A_602 = arith.constant 1 : i32
        %dma_start3A_603 = arith.constant 0 : i32
        %dma_start3A_604 = tpu.memref_slice %arg7[%dma_start3A_602, %dma_start3A_603] : memref<2x80xi32, #tpu.memory_space<vmem>> -> memref<1x80xi32, #tpu.memory_space<vmem>>
        %dma_start3A_605 = tpu.memref_squeeze %dma_start3A_604 : memref<1x80xi32, #tpu.memory_space<vmem>> -> memref<80xi32, #tpu.memory_space<vmem>>
        %dma_start3A_606 = tpu.memref_slice %arg3[%add3A_601] : memref<1280000xi32, #tpu.memory_space<hbm>> -> memref<80xi32, #tpu.memory_space<hbm>>
        %dma_start3A_607 = arith.constant 0 : i32
        %dma_start3A_608 = tpu.memref_slice %arg7[%dma_start3A_602, %dma_start3A_607] : memref<2x80xi32, #tpu.memory_space<vmem>> -> memref<1x80xi32, #tpu.memory_space<vmem>>
        %dma_start3A_609 = tpu.memref_squeeze %dma_start3A_608 : memref<1x80xi32, #tpu.memory_space<vmem>> -> memref<80xi32, #tpu.memory_space<vmem>>
        %dma_start3A_610 = tpu.memref_slice %arg3[%add3A_601] : memref<1280000xi32, #tpu.memory_space<hbm>> -> memref<80xi32, #tpu.memory_space<hbm>>
        tpu.enqueue_dma source(%dma_start3A_610 : memref<80xi32, #tpu.memory_space<hbm>>) target(%dma_start3A_609 : memref<80xi32, #tpu.memory_space<vmem>>) target_semaphore(%arg19 : memref<!tpu.dma_semaphore, #tpu.memory_space<semaphore_mem>>)
      } else {
      }
      %lt3A_410 = arith.constant 250 : i32
      %lt3A_411 = arith.cmpi slt, %add3A_399, %lt3A_410 : i32
      %convert_element_type3A_412 = arith.extui %lt3A_411 : i1 to i32
      %cond3A_413 = arith.constant 0 : i32
      %cond3A_414 = arith.cmpi ne, %convert_element_type3A_412, %cond3A_413 : i32
      scf.if %cond3A_414 {
        %dma_wait3A_589 = arith.constant 0 : i32
        %dma_wait3A_590 = arith.constant 0 : i32
        %dma_wait3A_591 = tpu.memref_slice %arg11[%dma_wait3A_589, %dma_wait3A_590] : memref<2x80xi32, #tpu.memory_space<vmem>> -> memref<1x80xi32, #tpu.memory_space<vmem>>
        %dma_wait3A_592 = tpu.memref_squeeze %dma_wait3A_591 : memref<1x80xi32, #tpu.memory_space<vmem>> -> memref<80xi32, #tpu.memory_space<vmem>>
        %dma_wait3A_593 = tpu.memref_slice %arg3[%add3A] : memref<1280000xi32, #tpu.memory_space<hbm>> -> memref<80xi32, #tpu.memory_space<hbm>>
        %dma_wait3A_594 = arith.constant 0 : i32
        %dma_wait3A_595 = tpu.memref_slice %arg11[%dma_wait3A_589, %dma_wait3A_594] : memref<2x80xi32, #tpu.memory_space<vmem>> -> memref<1x80xi32, #tpu.memory_space<vmem>>
        %dma_wait3A_596 = tpu.memref_squeeze %dma_wait3A_595 : memref<1x80xi32, #tpu.memory_space<vmem>> -> memref<80xi32, #tpu.memory_space<vmem>>
        %dma_wait3A_597 = tpu.memref_slice %arg3[%add3A] : memref<1280000xi32, #tpu.memory_space<hbm>> -> memref<80xi32, #tpu.memory_space<hbm>>
        tpu.wait_dma2 semaphore(%arg23 : memref<!tpu.dma_semaphore, #tpu.memory_space<semaphore_mem>>) src(%dma_wait3A_597 : memref<80xi32, #tpu.memory_space<hbm>>) dst(%dma_wait3A_596 : memref<80xi32, #tpu.memory_space<vmem>>)
        %dma_wait3A_598 = arith.constant 1 : i32
        %dma_wait3A_599 = arith.constant 0 : i32
        %dma_wait3A_600 = tpu.memref_slice %arg11[%dma_wait3A_598, %dma_wait3A_599] : memref<2x80xi32, #tpu.memory_space<vmem>> -> memref<1x80xi32, #tpu.memory_space<vmem>>
        %dma_wait3A_601 = tpu.memref_squeeze %dma_wait3A_600 : memref<1x80xi32, #tpu.memory_space<vmem>> -> memref<80xi32, #tpu.memory_space<vmem>>
        %dma_wait3A_602 = tpu.memref_slice %arg3[%add3A_18] : memref<1280000xi32, #tpu.memory_space<hbm>> -> memref<80xi32, #tpu.memory_space<hbm>>
        %dma_wait3A_603 = arith.constant 0 : i32
        %dma_wait3A_604 = tpu.memref_slice %arg11[%dma_wait3A_598, %dma_wait3A_603] : memref<2x80xi32, #tpu.memory_space<vmem>> -> memref<1x80xi32, #tpu.memory_space<vmem>>
        %dma_wait3A_605 = tpu.memref_squeeze %dma_wait3A_604 : memref<1x80xi32, #tpu.memory_space<vmem>> -> memref<80xi32, #tpu.memory_space<vmem>>
        %dma_wait3A_606 = tpu.memref_slice %arg3[%add3A_18] : memref<1280000xi32, #tpu.memory_space<hbm>> -> memref<80xi32, #tpu.memory_space<hbm>>
        tpu.wait_dma2 semaphore(%arg23 : memref<!tpu.dma_semaphore, #tpu.memory_space<semaphore_mem>>) src(%dma_wait3A_606 : memref<80xi32, #tpu.memory_space<hbm>>) dst(%dma_wait3A_605 : memref<80xi32, #tpu.memory_space<vmem>>)
        %dma_start3A_607 = arith.constant 0 : i32
        %dma_start3A_608 = arith.constant 0 : i32
        %dma_start3A_609 = tpu.memref_slice %arg11[%dma_start3A_607, %dma_start3A_608] : memref<2x80xi32, #tpu.memory_space<vmem>> -> memref<1x80xi32, #tpu.memory_space<vmem>>
        %dma_start3A_610 = tpu.memref_squeeze %dma_start3A_609 : memref<1x80xi32, #tpu.memory_space<vmem>> -> memref<80xi32, #tpu.memory_space<vmem>>
        %dma_start3A_611 = arith.constant 0 : i32
        %dma_start3A_612 = arith.constant 0 : i32
        %dma_start3A_613 = tpu.memref_slice %arg2[%dma_start3A_611, %dma_start3A_612] : memref<10000x128xf32, #tpu.memory_space<hbm>> -> memref<10000x128xf32, #tpu.memory_space<hbm>>
        tpu.enqueue_indirect_dma source(%dma_start3A_613 : memref<10000x128xf32, #tpu.memory_space<hbm>>) target(%arg15 : memref<80x128xf32, #tpu.memory_space<vmem>>) offsets(%dma_start3A_610 : memref<80xi32, #tpu.memory_space<vmem>>) semaphore(%arg27 : memref<!tpu.dma_semaphore, #tpu.memory_space<semaphore_mem>>)
      } else {
      }
      %add3A_415 = arith.constant 0 : i32
      %add3A_416 = arith.addi %mul3A_335, %add3A_415 : i32
      %add3A_417 = arith.constant 2 : i32
      %add3A_418 = arith.addi %add3A_416, %add3A_417 : i32
      %add3A_419 = arith.constant 8 : i32
      %add3A_420 = arith.addi %add3A_418, %add3A_419 : i32
      %add3A_421 = arith.constant 4 : i32
      %add3A_422 = arith.addi %add3A_418, %add3A_421 : i32
      %lt3A_423 = arith.constant 250 : i32
      %lt3A_424 = arith.cmpi slt, %add3A_418, %lt3A_423 : i32
      %convert_element_type3A_425 = arith.extui %lt3A_424 : i1 to i32
      %cond3A_426 = arith.constant 0 : i32
      %cond3A_427 = arith.cmpi ne, %convert_element_type3A_425, %cond3A_426 : i32
      scf.if %cond3A_427 {
        %dma_wait3A_589 = arith.constant 1 : i32
        %dma_wait3A_590 = arith.constant 0 : i32
        %dma_wait3A_591 = tpu.memref_slice %arg8[%dma_wait3A_589, %dma_wait3A_590] : memref<2x80xi32, #tpu.memory_space<vmem>> -> memref<1x80xi32, #tpu.memory_space<vmem>>
        %dma_wait3A_592 = tpu.memref_squeeze %dma_wait3A_591 : memref<1x80xi32, #tpu.memory_space<vmem>> -> memref<80xi32, #tpu.memory_space<vmem>>
        %dma_wait3A_593 = arith.constant 0 : i32
        %dma_wait3A_594 = arith.constant 0 : i32
        %dma_wait3A_595 = tpu.memref_slice %arg5[%dma_wait3A_593, %dma_wait3A_594] : memref<10008x128xf32, #tpu.memory_space<vmem_shared>> -> memref<10008x128xf32, #tpu.memory_space<vmem_shared>>
        tpu.wait_indirect_dma semaphore(%arg32 : memref<!tpu.dma_semaphore, #tpu.memory_space<semaphore_mem>>) src(%arg16 : memref<80x128xf32, #tpu.memory_space<vmem>>) dst(%dma_wait3A_595 : memref<10008x128xf32, #tpu.memory_space<vmem_shared>>)
      } else {
      }
      %lt3A_428 = arith.constant 250 : i32
      %lt3A_429 = arith.cmpi slt, %add3A_420, %lt3A_428 : i32
      %convert_element_type3A_430 = arith.extui %lt3A_429 : i1 to i32
      %cond3A_431 = arith.constant 0 : i32
      %cond3A_432 = arith.cmpi ne, %convert_element_type3A_430, %cond3A_431 : i32
      scf.if %cond3A_432 {
        %mul3A_589 = arith.constant 80 : i32
        %mul3A_590 = arith.muli %add3A_420, %mul3A_589 : i32
        %add3A_591 = arith.addi %add3A, %mul3A_590 : i32
        %dma_start3A_592 = arith.constant 0 : i32
        %dma_start3A_593 = arith.constant 0 : i32
        %dma_start3A_594 = tpu.memref_slice %arg8[%dma_start3A_592, %dma_start3A_593] : memref<2x80xi32, #tpu.memory_space<vmem>> -> memref<1x80xi32, #tpu.memory_space<vmem>>
        %dma_start3A_595 = tpu.memref_squeeze %dma_start3A_594 : memref<1x80xi32, #tpu.memory_space<vmem>> -> memref<80xi32, #tpu.memory_space<vmem>>
        %dma_start3A_596 = tpu.memref_slice %arg3[%add3A_591] : memref<1280000xi32, #tpu.memory_space<hbm>> -> memref<80xi32, #tpu.memory_space<hbm>>
        %dma_start3A_597 = arith.constant 0 : i32
        %dma_start3A_598 = tpu.memref_slice %arg8[%dma_start3A_592, %dma_start3A_597] : memref<2x80xi32, #tpu.memory_space<vmem>> -> memref<1x80xi32, #tpu.memory_space<vmem>>
        %dma_start3A_599 = tpu.memref_squeeze %dma_start3A_598 : memref<1x80xi32, #tpu.memory_space<vmem>> -> memref<80xi32, #tpu.memory_space<vmem>>
        %dma_start3A_600 = tpu.memref_slice %arg3[%add3A_591] : memref<1280000xi32, #tpu.memory_space<hbm>> -> memref<80xi32, #tpu.memory_space<hbm>>
        tpu.enqueue_dma source(%dma_start3A_600 : memref<80xi32, #tpu.memory_space<hbm>>) target(%dma_start3A_599 : memref<80xi32, #tpu.memory_space<vmem>>) target_semaphore(%arg20 : memref<!tpu.dma_semaphore, #tpu.memory_space<semaphore_mem>>)
        %add3A_601 = arith.addi %add3A_18, %mul3A_590 : i32
        %dma_start3A_602 = arith.constant 1 : i32
        %dma_start3A_603 = arith.constant 0 : i32
        %dma_start3A_604 = tpu.memref_slice %arg8[%dma_start3A_602, %dma_start3A_603] : memref<2x80xi32, #tpu.memory_space<vmem>> -> memref<1x80xi32, #tpu.memory_space<vmem>>
        %dma_start3A_605 = tpu.memref_squeeze %dma_start3A_604 : memref<1x80xi32, #tpu.memory_space<vmem>> -> memref<80xi32, #tpu.memory_space<vmem>>
        %dma_start3A_606 = tpu.memref_slice %arg3[%add3A_601] : memref<1280000xi32, #tpu.memory_space<hbm>> -> memref<80xi32, #tpu.memory_space<hbm>>
        %dma_start3A_607 = arith.constant 0 : i32
        %dma_start3A_608 = tpu.memref_slice %arg8[%dma_start3A_602, %dma_start3A_607] : memref<2x80xi32, #tpu.memory_space<vmem>> -> memref<1x80xi32, #tpu.memory_space<vmem>>
        %dma_start3A_609 = tpu.memref_squeeze %dma_start3A_608 : memref<1x80xi32, #tpu.memory_space<vmem>> -> memref<80xi32, #tpu.memory_space<vmem>>
        %dma_start3A_610 = tpu.memref_slice %arg3[%add3A_601] : memref<1280000xi32, #tpu.memory_space<hbm>> -> memref<80xi32, #tpu.memory_space<hbm>>
        tpu.enqueue_dma source(%dma_start3A_610 : memref<80xi32, #tpu.memory_space<hbm>>) target(%dma_start3A_609 : memref<80xi32, #tpu.memory_space<vmem>>) target_semaphore(%arg20 : memref<!tpu.dma_semaphore, #tpu.memory_space<semaphore_mem>>)
      } else {
      }
      %lt3A_433 = arith.constant 250 : i32
      %lt3A_434 = arith.cmpi slt, %add3A_422, %lt3A_433 : i32
      %convert_element_type3A_435 = arith.extui %lt3A_434 : i1 to i32
      %cond3A_436 = arith.constant 0 : i32
      %cond3A_437 = arith.cmpi ne, %convert_element_type3A_435, %cond3A_436 : i32
      scf.if %cond3A_437 {
        %dma_wait3A_589 = arith.constant 0 : i32
        %dma_wait3A_590 = arith.constant 0 : i32
        %dma_wait3A_591 = tpu.memref_slice %arg12[%dma_wait3A_589, %dma_wait3A_590] : memref<2x80xi32, #tpu.memory_space<vmem>> -> memref<1x80xi32, #tpu.memory_space<vmem>>
        %dma_wait3A_592 = tpu.memref_squeeze %dma_wait3A_591 : memref<1x80xi32, #tpu.memory_space<vmem>> -> memref<80xi32, #tpu.memory_space<vmem>>
        %dma_wait3A_593 = tpu.memref_slice %arg3[%add3A] : memref<1280000xi32, #tpu.memory_space<hbm>> -> memref<80xi32, #tpu.memory_space<hbm>>
        %dma_wait3A_594 = arith.constant 0 : i32
        %dma_wait3A_595 = tpu.memref_slice %arg12[%dma_wait3A_589, %dma_wait3A_594] : memref<2x80xi32, #tpu.memory_space<vmem>> -> memref<1x80xi32, #tpu.memory_space<vmem>>
        %dma_wait3A_596 = tpu.memref_squeeze %dma_wait3A_595 : memref<1x80xi32, #tpu.memory_space<vmem>> -> memref<80xi32, #tpu.memory_space<vmem>>
        %dma_wait3A_597 = tpu.memref_slice %arg3[%add3A] : memref<1280000xi32, #tpu.memory_space<hbm>> -> memref<80xi32, #tpu.memory_space<hbm>>
        tpu.wait_dma2 semaphore(%arg24 : memref<!tpu.dma_semaphore, #tpu.memory_space<semaphore_mem>>) src(%dma_wait3A_597 : memref<80xi32, #tpu.memory_space<hbm>>) dst(%dma_wait3A_596 : memref<80xi32, #tpu.memory_space<vmem>>)
        %dma_wait3A_598 = arith.constant 1 : i32
        %dma_wait3A_599 = arith.constant 0 : i32
        %dma_wait3A_600 = tpu.memref_slice %arg12[%dma_wait3A_598, %dma_wait3A_599] : memref<2x80xi32, #tpu.memory_space<vmem>> -> memref<1x80xi32, #tpu.memory_space<vmem>>
        %dma_wait3A_601 = tpu.memref_squeeze %dma_wait3A_600 : memref<1x80xi32, #tpu.memory_space<vmem>> -> memref<80xi32, #tpu.memory_space<vmem>>
        %dma_wait3A_602 = tpu.memref_slice %arg3[%add3A_18] : memref<1280000xi32, #tpu.memory_space<hbm>> -> memref<80xi32, #tpu.memory_space<hbm>>
        %dma_wait3A_603 = arith.constant 0 : i32
        %dma_wait3A_604 = tpu.memref_slice %arg12[%dma_wait3A_598, %dma_wait3A_603] : memref<2x80xi32, #tpu.memory_space<vmem>> -> memref<1x80xi32, #tpu.memory_space<vmem>>
        %dma_wait3A_605 = tpu.memref_squeeze %dma_wait3A_604 : memref<1x80xi32, #tpu.memory_space<vmem>> -> memref<80xi32, #tpu.memory_space<vmem>>
        %dma_wait3A_606 = tpu.memref_slice %arg3[%add3A_18] : memref<1280000xi32, #tpu.memory_space<hbm>> -> memref<80xi32, #tpu.memory_space<hbm>>
        tpu.wait_dma2 semaphore(%arg24 : memref<!tpu.dma_semaphore, #tpu.memory_space<semaphore_mem>>) src(%dma_wait3A_606 : memref<80xi32, #tpu.memory_space<hbm>>) dst(%dma_wait3A_605 : memref<80xi32, #tpu.memory_space<vmem>>)
        %dma_start3A_607 = arith.constant 0 : i32
        %dma_start3A_608 = arith.constant 0 : i32
        %dma_start3A_609 = tpu.memref_slice %arg12[%dma_start3A_607, %dma_start3A_608] : memref<2x80xi32, #tpu.memory_space<vmem>> -> memref<1x80xi32, #tpu.memory_space<vmem>>
        %dma_start3A_610 = tpu.memref_squeeze %dma_start3A_609 : memref<1x80xi32, #tpu.memory_space<vmem>> -> memref<80xi32, #tpu.memory_space<vmem>>
        %dma_start3A_611 = arith.constant 0 : i32
        %dma_start3A_612 = arith.constant 0 : i32
        %dma_start3A_613 = tpu.memref_slice %arg2[%dma_start3A_611, %dma_start3A_612] : memref<10000x128xf32, #tpu.memory_space<hbm>> -> memref<10000x128xf32, #tpu.memory_space<hbm>>
        tpu.enqueue_indirect_dma source(%dma_start3A_613 : memref<10000x128xf32, #tpu.memory_space<hbm>>) target(%arg16 : memref<80x128xf32, #tpu.memory_space<vmem>>) offsets(%dma_start3A_610 : memref<80xi32, #tpu.memory_space<vmem>>) semaphore(%arg28 : memref<!tpu.dma_semaphore, #tpu.memory_space<semaphore_mem>>)
      } else {
      }
      %add3A_438 = arith.constant 0 : i32
      %add3A_439 = arith.addi %mul3A_335, %add3A_438 : i32
      %add3A_440 = arith.constant 3 : i32
      %add3A_441 = arith.addi %add3A_439, %add3A_440 : i32
      %add3A_442 = arith.constant 8 : i32
      %add3A_443 = arith.addi %add3A_441, %add3A_442 : i32
      %add3A_444 = arith.constant 4 : i32
      %add3A_445 = arith.addi %add3A_441, %add3A_444 : i32
      %lt3A_446 = arith.constant 250 : i32
      %lt3A_447 = arith.cmpi slt, %add3A_441, %lt3A_446 : i32
      %convert_element_type3A_448 = arith.extui %lt3A_447 : i1 to i32
      %cond3A_449 = arith.constant 0 : i32
      %cond3A_450 = arith.cmpi ne, %convert_element_type3A_448, %cond3A_449 : i32
      scf.if %cond3A_450 {
        %dma_wait3A_589 = arith.constant 1 : i32
        %dma_wait3A_590 = arith.constant 0 : i32
        %dma_wait3A_591 = tpu.memref_slice %arg9[%dma_wait3A_589, %dma_wait3A_590] : memref<2x80xi32, #tpu.memory_space<vmem>> -> memref<1x80xi32, #tpu.memory_space<vmem>>
        %dma_wait3A_592 = tpu.memref_squeeze %dma_wait3A_591 : memref<1x80xi32, #tpu.memory_space<vmem>> -> memref<80xi32, #tpu.memory_space<vmem>>
        %dma_wait3A_593 = arith.constant 0 : i32
        %dma_wait3A_594 = arith.constant 0 : i32
        %dma_wait3A_595 = tpu.memref_slice %arg5[%dma_wait3A_593, %dma_wait3A_594] : memref<10008x128xf32, #tpu.memory_space<vmem_shared>> -> memref<10008x128xf32, #tpu.memory_space<vmem_shared>>
        tpu.wait_indirect_dma semaphore(%arg33 : memref<!tpu.dma_semaphore, #tpu.memory_space<semaphore_mem>>) src(%arg17 : memref<80x128xf32, #tpu.memory_space<vmem>>) dst(%dma_wait3A_595 : memref<10008x128xf32, #tpu.memory_space<vmem_shared>>)
      } else {
      }
      %lt3A_451 = arith.constant 250 : i32
      %lt3A_452 = arith.cmpi slt, %add3A_443, %lt3A_451 : i32
      %convert_element_type3A_453 = arith.extui %lt3A_452 : i1 to i32
      %cond3A_454 = arith.constant 0 : i32
      %cond3A_455 = arith.cmpi ne, %convert_element_type3A_453, %cond3A_454 : i32
      scf.if %cond3A_455 {
        %mul3A_589 = arith.constant 80 : i32
        %mul3A_590 = arith.muli %add3A_443, %mul3A_589 : i32
        %add3A_591 = arith.addi %add3A, %mul3A_590 : i32
        %dma_start3A_592 = arith.constant 0 : i32
        %dma_start3A_593 = arith.constant 0 : i32
        %dma_start3A_594 = tpu.memref_slice %arg9[%dma_start3A_592, %dma_start3A_593] : memref<2x80xi32, #tpu.memory_space<vmem>> -> memref<1x80xi32, #tpu.memory_space<vmem>>
        %dma_start3A_595 = tpu.memref_squeeze %dma_start3A_594 : memref<1x80xi32, #tpu.memory_space<vmem>> -> memref<80xi32, #tpu.memory_space<vmem>>
        %dma_start3A_596 = tpu.memref_slice %arg3[%add3A_591] : memref<1280000xi32, #tpu.memory_space<hbm>> -> memref<80xi32, #tpu.memory_space<hbm>>
        %dma_start3A_597 = arith.constant 0 : i32
        %dma_start3A_598 = tpu.memref_slice %arg9[%dma_start3A_592, %dma_start3A_597] : memref<2x80xi32, #tpu.memory_space<vmem>> -> memref<1x80xi32, #tpu.memory_space<vmem>>
        %dma_start3A_599 = tpu.memref_squeeze %dma_start3A_598 : memref<1x80xi32, #tpu.memory_space<vmem>> -> memref<80xi32, #tpu.memory_space<vmem>>
        %dma_start3A_600 = tpu.memref_slice %arg3[%add3A_591] : memref<1280000xi32, #tpu.memory_space<hbm>> -> memref<80xi32, #tpu.memory_space<hbm>>
        tpu.enqueue_dma source(%dma_start3A_600 : memref<80xi32, #tpu.memory_space<hbm>>) target(%dma_start3A_599 : memref<80xi32, #tpu.memory_space<vmem>>) target_semaphore(%arg21 : memref<!tpu.dma_semaphore, #tpu.memory_space<semaphore_mem>>)
        %add3A_601 = arith.addi %add3A_18, %mul3A_590 : i32
        %dma_start3A_602 = arith.constant 1 : i32
        %dma_start3A_603 = arith.constant 0 : i32
        %dma_start3A_604 = tpu.memref_slice %arg9[%dma_start3A_602, %dma_start3A_603] : memref<2x80xi32, #tpu.memory_space<vmem>> -> memref<1x80xi32, #tpu.memory_space<vmem>>
        %dma_start3A_605 = tpu.memref_squeeze %dma_start3A_604 : memref<1x80xi32, #tpu.memory_space<vmem>> -> memref<80xi32, #tpu.memory_space<vmem>>
        %dma_start3A_606 = tpu.memref_slice %arg3[%add3A_601] : memref<1280000xi32, #tpu.memory_space<hbm>> -> memref<80xi32, #tpu.memory_space<hbm>>
        %dma_start3A_607 = arith.constant 0 : i32
        %dma_start3A_608 = tpu.memref_slice %arg9[%dma_start3A_602, %dma_start3A_607] : memref<2x80xi32, #tpu.memory_space<vmem>> -> memref<1x80xi32, #tpu.memory_space<vmem>>
        %dma_start3A_609 = tpu.memref_squeeze %dma_start3A_608 : memref<1x80xi32, #tpu.memory_space<vmem>> -> memref<80xi32, #tpu.memory_space<vmem>>
        %dma_start3A_610 = tpu.memref_slice %arg3[%add3A_601] : memref<1280000xi32, #tpu.memory_space<hbm>> -> memref<80xi32, #tpu.memory_space<hbm>>
        tpu.enqueue_dma source(%dma_start3A_610 : memref<80xi32, #tpu.memory_space<hbm>>) target(%dma_start3A_609 : memref<80xi32, #tpu.memory_space<vmem>>) target_semaphore(%arg21 : memref<!tpu.dma_semaphore, #tpu.memory_space<semaphore_mem>>)
      } else {
      }
      %lt3A_456 = arith.constant 250 : i32
      %lt3A_457 = arith.cmpi slt, %add3A_445, %lt3A_456 : i32
      %convert_element_type3A_458 = arith.extui %lt3A_457 : i1 to i32
      %cond3A_459 = arith.constant 0 : i32
      %cond3A_460 = arith.cmpi ne, %convert_element_type3A_458, %cond3A_459 : i32
      scf.if %cond3A_460 {
        %dma_wait3A_589 = arith.constant 0 : i32
        %dma_wait3A_590 = arith.constant 0 : i32
        %dma_wait3A_591 = tpu.memref_slice %arg13[%dma_wait3A_589, %dma_wait3A_590] : memref<2x80xi32, #tpu.memory_space<vmem>> -> memref<1x80xi32, #tpu.memory_space<vmem>>
        %dma_wait3A_592 = tpu.memref_squeeze %dma_wait3A_591 : memref<1x80xi32, #tpu.memory_space<vmem>> -> memref<80xi32, #tpu.memory_space<vmem>>
        %dma_wait3A_593 = tpu.memref_slice %arg3[%add3A] : memref<1280000xi32, #tpu.memory_space<hbm>> -> memref<80xi32, #tpu.memory_space<hbm>>
        %dma_wait3A_594 = arith.constant 0 : i32
        %dma_wait3A_595 = tpu.memref_slice %arg13[%dma_wait3A_589, %dma_wait3A_594] : memref<2x80xi32, #tpu.memory_space<vmem>> -> memref<1x80xi32, #tpu.memory_space<vmem>>
        %dma_wait3A_596 = tpu.memref_squeeze %dma_wait3A_595 : memref<1x80xi32, #tpu.memory_space<vmem>> -> memref<80xi32, #tpu.memory_space<vmem>>
        %dma_wait3A_597 = tpu.memref_slice %arg3[%add3A] : memref<1280000xi32, #tpu.memory_space<hbm>> -> memref<80xi32, #tpu.memory_space<hbm>>
        tpu.wait_dma2 semaphore(%arg25 : memref<!tpu.dma_semaphore, #tpu.memory_space<semaphore_mem>>) src(%dma_wait3A_597 : memref<80xi32, #tpu.memory_space<hbm>>) dst(%dma_wait3A_596 : memref<80xi32, #tpu.memory_space<vmem>>)
        %dma_wait3A_598 = arith.constant 1 : i32
        %dma_wait3A_599 = arith.constant 0 : i32
        %dma_wait3A_600 = tpu.memref_slice %arg13[%dma_wait3A_598, %dma_wait3A_599] : memref<2x80xi32, #tpu.memory_space<vmem>> -> memref<1x80xi32, #tpu.memory_space<vmem>>
        %dma_wait3A_601 = tpu.memref_squeeze %dma_wait3A_600 : memref<1x80xi32, #tpu.memory_space<vmem>> -> memref<80xi32, #tpu.memory_space<vmem>>
        %dma_wait3A_602 = tpu.memref_slice %arg3[%add3A_18] : memref<1280000xi32, #tpu.memory_space<hbm>> -> memref<80xi32, #tpu.memory_space<hbm>>
        %dma_wait3A_603 = arith.constant 0 : i32
        %dma_wait3A_604 = tpu.memref_slice %arg13[%dma_wait3A_598, %dma_wait3A_603] : memref<2x80xi32, #tpu.memory_space<vmem>> -> memref<1x80xi32, #tpu.memory_space<vmem>>
        %dma_wait3A_605 = tpu.memref_squeeze %dma_wait3A_604 : memref<1x80xi32, #tpu.memory_space<vmem>> -> memref<80xi32, #tpu.memory_space<vmem>>
        %dma_wait3A_606 = tpu.memref_slice %arg3[%add3A_18] : memref<1280000xi32, #tpu.memory_space<hbm>> -> memref<80xi32, #tpu.memory_space<hbm>>
        tpu.wait_dma2 semaphore(%arg25 : memref<!tpu.dma_semaphore, #tpu.memory_space<semaphore_mem>>) src(%dma_wait3A_606 : memref<80xi32, #tpu.memory_space<hbm>>) dst(%dma_wait3A_605 : memref<80xi32, #tpu.memory_space<vmem>>)
        %dma_start3A_607 = arith.constant 0 : i32
        %dma_start3A_608 = arith.constant 0 : i32
        %dma_start3A_609 = tpu.memref_slice %arg13[%dma_start3A_607, %dma_start3A_608] : memref<2x80xi32, #tpu.memory_space<vmem>> -> memref<1x80xi32, #tpu.memory_space<vmem>>
        %dma_start3A_610 = tpu.memref_squeeze %dma_start3A_609 : memref<1x80xi32, #tpu.memory_space<vmem>> -> memref<80xi32, #tpu.memory_space<vmem>>
        %dma_start3A_611 = arith.constant 0 : i32
        %dma_start3A_612 = arith.constant 0 : i32
        %dma_start3A_613 = tpu.memref_slice %arg2[%dma_start3A_611, %dma_start3A_612] : memref<10000x128xf32, #tpu.memory_space<hbm>> -> memref<10000x128xf32, #tpu.memory_space<hbm>>
        tpu.enqueue_indirect_dma source(%dma_start3A_613 : memref<10000x128xf32, #tpu.memory_space<hbm>>) target(%arg17 : memref<80x128xf32, #tpu.memory_space<vmem>>) offsets(%dma_start3A_610 : memref<80xi32, #tpu.memory_space<vmem>>) semaphore(%arg29 : memref<!tpu.dma_semaphore, #tpu.memory_space<semaphore_mem>>)
      } else {
      }
      %add3A_461 = arith.constant 4 : i32
      %add3A_462 = arith.addi %mul3A_335, %add3A_461 : i32
      %add3A_463 = arith.constant 0 : i32
      %add3A_464 = arith.addi %add3A_462, %add3A_463 : i32
      %lt3A_465 = arith.constant 250 : i32
      %lt3A_466 = arith.cmpi slt, %add3A_464, %lt3A_465 : i32
      %convert_element_type3A_467 = arith.extui %lt3A_466 : i1 to i32
      %cond3A_468 = arith.constant 0 : i32
      %cond3A_469 = arith.cmpi ne, %convert_element_type3A_467, %cond3A_468 : i32
      scf.if %cond3A_469 {
        %dma_wait3A_589 = arith.constant 0 : i32
        %dma_wait3A_590 = arith.constant 0 : i32
        %dma_wait3A_591 = tpu.memref_slice %arg10[%dma_wait3A_589, %dma_wait3A_590] : memref<2x80xi32, #tpu.memory_space<vmem>> -> memref<1x80xi32, #tpu.memory_space<vmem>>
        %dma_wait3A_592 = tpu.memref_squeeze %dma_wait3A_591 : memref<1x80xi32, #tpu.memory_space<vmem>> -> memref<80xi32, #tpu.memory_space<vmem>>
        %dma_wait3A_593 = arith.constant 0 : i32
        %dma_wait3A_594 = arith.constant 0 : i32
        %dma_wait3A_595 = tpu.memref_slice %arg2[%dma_wait3A_593, %dma_wait3A_594] : memref<10000x128xf32, #tpu.memory_space<hbm>> -> memref<10000x128xf32, #tpu.memory_space<hbm>>
        tpu.wait_indirect_dma semaphore(%arg26 : memref<!tpu.dma_semaphore, #tpu.memory_space<semaphore_mem>>) src(%dma_wait3A_595 : memref<10000x128xf32, #tpu.memory_space<hbm>>) dst(%arg14 : memref<80x128xf32, #tpu.memory_space<vmem>>)
        %dma_start3A_596 = arith.constant 1 : i32
        %dma_start3A_597 = arith.constant 0 : i32
        %dma_start3A_598 = tpu.memref_slice %arg10[%dma_start3A_596, %dma_start3A_597] : memref<2x80xi32, #tpu.memory_space<vmem>> -> memref<1x80xi32, #tpu.memory_space<vmem>>
        %dma_start3A_599 = tpu.memref_squeeze %dma_start3A_598 : memref<1x80xi32, #tpu.memory_space<vmem>> -> memref<80xi32, #tpu.memory_space<vmem>>
        %dma_start3A_600 = arith.constant 0 : i32
        %dma_start3A_601 = arith.constant 0 : i32
        %dma_start3A_602 = tpu.memref_slice %arg5[%dma_start3A_600, %dma_start3A_601] : memref<10008x128xf32, #tpu.memory_space<vmem_shared>> -> memref<10008x128xf32, #tpu.memory_space<vmem_shared>>
        tpu.enqueue_indirect_dma source(%arg14 : memref<80x128xf32, #tpu.memory_space<vmem>>) target(%dma_start3A_602 : memref<10008x128xf32, #tpu.memory_space<vmem_shared>>) offsets(%dma_start3A_599 : memref<80xi32, #tpu.memory_space<vmem>>) semaphore(%arg30 : memref<!tpu.dma_semaphore, #tpu.memory_space<semaphore_mem>>) {add = true}
      } else {
      }
      %add3A_470 = arith.constant 4 : i32
      %add3A_471 = arith.addi %mul3A_335, %add3A_470 : i32
      %add3A_472 = arith.constant 1 : i32
      %add3A_473 = arith.addi %add3A_471, %add3A_472 : i32
      %lt3A_474 = arith.constant 250 : i32
      %lt3A_475 = arith.cmpi slt, %add3A_473, %lt3A_474 : i32
      %convert_element_type3A_476 = arith.extui %lt3A_475 : i1 to i32
      %cond3A_477 = arith.constant 0 : i32
      %cond3A_478 = arith.cmpi ne, %convert_element_type3A_476, %cond3A_477 : i32
      scf.if %cond3A_478 {
        %dma_wait3A_589 = arith.constant 0 : i32
        %dma_wait3A_590 = arith.constant 0 : i32
        %dma_wait3A_591 = tpu.memref_slice %arg11[%dma_wait3A_589, %dma_wait3A_590] : memref<2x80xi32, #tpu.memory_space<vmem>> -> memref<1x80xi32, #tpu.memory_space<vmem>>
        %dma_wait3A_592 = tpu.memref_squeeze %dma_wait3A_591 : memref<1x80xi32, #tpu.memory_space<vmem>> -> memref<80xi32, #tpu.memory_space<vmem>>
        %dma_wait3A_593 = arith.constant 0 : i32
        %dma_wait3A_594 = arith.constant 0 : i32
        %dma_wait3A_595 = tpu.memref_slice %arg2[%dma_wait3A_593, %dma_wait3A_594] : memref<10000x128xf32, #tpu.memory_space<hbm>> -> memref<10000x128xf32, #tpu.memory_space<hbm>>
        tpu.wait_indirect_dma semaphore(%arg27 : memref<!tpu.dma_semaphore, #tpu.memory_space<semaphore_mem>>) src(%dma_wait3A_595 : memref<10000x128xf32, #tpu.memory_space<hbm>>) dst(%arg15 : memref<80x128xf32, #tpu.memory_space<vmem>>)
        %dma_start3A_596 = arith.constant 1 : i32
        %dma_start3A_597 = arith.constant 0 : i32
        %dma_start3A_598 = tpu.memref_slice %arg11[%dma_start3A_596, %dma_start3A_597] : memref<2x80xi32, #tpu.memory_space<vmem>> -> memref<1x80xi32, #tpu.memory_space<vmem>>
        %dma_start3A_599 = tpu.memref_squeeze %dma_start3A_598 : memref<1x80xi32, #tpu.memory_space<vmem>> -> memref<80xi32, #tpu.memory_space<vmem>>
        %dma_start3A_600 = arith.constant 0 : i32
        %dma_start3A_601 = arith.constant 0 : i32
        %dma_start3A_602 = tpu.memref_slice %arg5[%dma_start3A_600, %dma_start3A_601] : memref<10008x128xf32, #tpu.memory_space<vmem_shared>> -> memref<10008x128xf32, #tpu.memory_space<vmem_shared>>
        tpu.enqueue_indirect_dma source(%arg15 : memref<80x128xf32, #tpu.memory_space<vmem>>) target(%dma_start3A_602 : memref<10008x128xf32, #tpu.memory_space<vmem_shared>>) offsets(%dma_start3A_599 : memref<80xi32, #tpu.memory_space<vmem>>) semaphore(%arg31 : memref<!tpu.dma_semaphore, #tpu.memory_space<semaphore_mem>>) {add = true}
      } else {
      }
      %add3A_479 = arith.constant 4 : i32
      %add3A_480 = arith.addi %mul3A_335, %add3A_479 : i32
      %add3A_481 = arith.constant 2 : i32
      %add3A_482 = arith.addi %add3A_480, %add3A_481 : i32
      %lt3A_483 = arith.constant 250 : i32
      %lt3A_484 = arith.cmpi slt, %add3A_482, %lt3A_483 : i32
      %convert_element_type3A_485 = arith.extui %lt3A_484 : i1 to i32
      %cond3A_486 = arith.constant 0 : i32
      %cond3A_487 = arith.cmpi ne, %convert_element_type3A_485, %cond3A_486 : i32
      scf.if %cond3A_487 {
        %dma_wait3A_589 = arith.constant 0 : i32
        %dma_wait3A_590 = arith.constant 0 : i32
        %dma_wait3A_591 = tpu.memref_slice %arg12[%dma_wait3A_589, %dma_wait3A_590] : memref<2x80xi32, #tpu.memory_space<vmem>> -> memref<1x80xi32, #tpu.memory_space<vmem>>
        %dma_wait3A_592 = tpu.memref_squeeze %dma_wait3A_591 : memref<1x80xi32, #tpu.memory_space<vmem>> -> memref<80xi32, #tpu.memory_space<vmem>>
        %dma_wait3A_593 = arith.constant 0 : i32
        %dma_wait3A_594 = arith.constant 0 : i32
        %dma_wait3A_595 = tpu.memref_slice %arg2[%dma_wait3A_593, %dma_wait3A_594] : memref<10000x128xf32, #tpu.memory_space<hbm>> -> memref<10000x128xf32, #tpu.memory_space<hbm>>
        tpu.wait_indirect_dma semaphore(%arg28 : memref<!tpu.dma_semaphore, #tpu.memory_space<semaphore_mem>>) src(%dma_wait3A_595 : memref<10000x128xf32, #tpu.memory_space<hbm>>) dst(%arg16 : memref<80x128xf32, #tpu.memory_space<vmem>>)
        %dma_start3A_596 = arith.constant 1 : i32
        %dma_start3A_597 = arith.constant 0 : i32
        %dma_start3A_598 = tpu.memref_slice %arg12[%dma_start3A_596, %dma_start3A_597] : memref<2x80xi32, #tpu.memory_space<vmem>> -> memref<1x80xi32, #tpu.memory_space<vmem>>
        %dma_start3A_599 = tpu.memref_squeeze %dma_start3A_598 : memref<1x80xi32, #tpu.memory_space<vmem>> -> memref<80xi32, #tpu.memory_space<vmem>>
        %dma_start3A_600 = arith.constant 0 : i32
        %dma_start3A_601 = arith.constant 0 : i32
        %dma_start3A_602 = tpu.memref_slice %arg5[%dma_start3A_600, %dma_start3A_601] : memref<10008x128xf32, #tpu.memory_space<vmem_shared>> -> memref<10008x128xf32, #tpu.memory_space<vmem_shared>>
        tpu.enqueue_indirect_dma source(%arg16 : memref<80x128xf32, #tpu.memory_space<vmem>>) target(%dma_start3A_602 : memref<10008x128xf32, #tpu.memory_space<vmem_shared>>) offsets(%dma_start3A_599 : memref<80xi32, #tpu.memory_space<vmem>>) semaphore(%arg32 : memref<!tpu.dma_semaphore, #tpu.memory_space<semaphore_mem>>) {add = true}
      } else {
      }
      %add3A_488 = arith.constant 4 : i32
      %add3A_489 = arith.addi %mul3A_335, %add3A_488 : i32
      %add3A_490 = arith.constant 3 : i32
      %add3A_491 = arith.addi %add3A_489, %add3A_490 : i32
      %lt3A_492 = arith.constant 250 : i32
      %lt3A_493 = arith.cmpi slt, %add3A_491, %lt3A_492 : i32
      %convert_element_type3A_494 = arith.extui %lt3A_493 : i1 to i32
      %cond3A_495 = arith.constant 0 : i32
      %cond3A_496 = arith.cmpi ne, %convert_element_type3A_494, %cond3A_495 : i32
      scf.if %cond3A_496 {
        %dma_wait3A_589 = arith.constant 0 : i32
        %dma_wait3A_590 = arith.constant 0 : i32
        %dma_wait3A_591 = tpu.memref_slice %arg13[%dma_wait3A_589, %dma_wait3A_590] : memref<2x80xi32, #tpu.memory_space<vmem>> -> memref<1x80xi32, #tpu.memory_space<vmem>>
        %dma_wait3A_592 = tpu.memref_squeeze %dma_wait3A_591 : memref<1x80xi32, #tpu.memory_space<vmem>> -> memref<80xi32, #tpu.memory_space<vmem>>
        %dma_wait3A_593 = arith.constant 0 : i32
        %dma_wait3A_594 = arith.constant 0 : i32
        %dma_wait3A_595 = tpu.memref_slice %arg2[%dma_wait3A_593, %dma_wait3A_594] : memref<10000x128xf32, #tpu.memory_space<hbm>> -> memref<10000x128xf32, #tpu.memory_space<hbm>>
        tpu.wait_indirect_dma semaphore(%arg29 : memref<!tpu.dma_semaphore, #tpu.memory_space<semaphore_mem>>) src(%dma_wait3A_595 : memref<10000x128xf32, #tpu.memory_space<hbm>>) dst(%arg17 : memref<80x128xf32, #tpu.memory_space<vmem>>)
        %dma_start3A_596 = arith.constant 1 : i32
        %dma_start3A_597 = arith.constant 0 : i32
        %dma_start3A_598 = tpu.memref_slice %arg13[%dma_start3A_596, %dma_start3A_597] : memref<2x80xi32, #tpu.memory_space<vmem>> -> memref<1x80xi32, #tpu.memory_space<vmem>>
        %dma_start3A_599 = tpu.memref_squeeze %dma_start3A_598 : memref<1x80xi32, #tpu.memory_space<vmem>> -> memref<80xi32, #tpu.memory_space<vmem>>
        %dma_start3A_600 = arith.constant 0 : i32
        %dma_start3A_601 = arith.constant 0 : i32
        %dma_start3A_602 = tpu.memref_slice %arg5[%dma_start3A_600, %dma_start3A_601] : memref<10008x128xf32, #tpu.memory_space<vmem_shared>> -> memref<10008x128xf32, #tpu.memory_space<vmem_shared>>
        tpu.enqueue_indirect_dma source(%arg17 : memref<80x128xf32, #tpu.memory_space<vmem>>) target(%dma_start3A_602 : memref<10008x128xf32, #tpu.memory_space<vmem_shared>>) offsets(%dma_start3A_599 : memref<80xi32, #tpu.memory_space<vmem>>) semaphore(%arg33 : memref<!tpu.dma_semaphore, #tpu.memory_space<semaphore_mem>>) {add = true}
      } else {
      }
      %add3A_497 = arith.constant 4 : i32
      %add3A_498 = arith.addi %mul3A_335, %add3A_497 : i32
      %add3A_499 = arith.constant 0 : i32
      %add3A_500 = arith.addi %add3A_498, %add3A_499 : i32
      %add3A_501 = arith.constant 8 : i32
      %add3A_502 = arith.addi %add3A_500, %add3A_501 : i32
      %add3A_503 = arith.constant 4 : i32
      %add3A_504 = arith.addi %add3A_500, %add3A_503 : i32
      %lt3A_505 = arith.constant 250 : i32
      %lt3A_506 = arith.cmpi slt, %add3A_500, %lt3A_505 : i32
      %convert_element_type3A_507 = arith.extui %lt3A_506 : i1 to i32
      %cond3A_508 = arith.constant 0 : i32
      %cond3A_509 = arith.cmpi ne, %convert_element_type3A_507, %cond3A_508 : i32
      scf.if %cond3A_509 {
        %dma_wait3A_589 = arith.constant 1 : i32
        %dma_wait3A_590 = arith.constant 0 : i32
        %dma_wait3A_591 = tpu.memref_slice %arg10[%dma_wait3A_589, %dma_wait3A_590] : memref<2x80xi32, #tpu.memory_space<vmem>> -> memref<1x80xi32, #tpu.memory_space<vmem>>
        %dma_wait3A_592 = tpu.memref_squeeze %dma_wait3A_591 : memref<1x80xi32, #tpu.memory_space<vmem>> -> memref<80xi32, #tpu.memory_space<vmem>>
        %dma_wait3A_593 = arith.constant 0 : i32
        %dma_wait3A_594 = arith.constant 0 : i32
        %dma_wait3A_595 = tpu.memref_slice %arg5[%dma_wait3A_593, %dma_wait3A_594] : memref<10008x128xf32, #tpu.memory_space<vmem_shared>> -> memref<10008x128xf32, #tpu.memory_space<vmem_shared>>
        tpu.wait_indirect_dma semaphore(%arg30 : memref<!tpu.dma_semaphore, #tpu.memory_space<semaphore_mem>>) src(%arg14 : memref<80x128xf32, #tpu.memory_space<vmem>>) dst(%dma_wait3A_595 : memref<10008x128xf32, #tpu.memory_space<vmem_shared>>)
      } else {
      }
      %lt3A_510 = arith.constant 250 : i32
      %lt3A_511 = arith.cmpi slt, %add3A_502, %lt3A_510 : i32
      %convert_element_type3A_512 = arith.extui %lt3A_511 : i1 to i32
      %cond3A_513 = arith.constant 0 : i32
      %cond3A_514 = arith.cmpi ne, %convert_element_type3A_512, %cond3A_513 : i32
      scf.if %cond3A_514 {
        %mul3A_589 = arith.constant 80 : i32
        %mul3A_590 = arith.muli %add3A_502, %mul3A_589 : i32
        %add3A_591 = arith.addi %add3A, %mul3A_590 : i32
        %dma_start3A_592 = arith.constant 0 : i32
        %dma_start3A_593 = arith.constant 0 : i32
        %dma_start3A_594 = tpu.memref_slice %arg10[%dma_start3A_592, %dma_start3A_593] : memref<2x80xi32, #tpu.memory_space<vmem>> -> memref<1x80xi32, #tpu.memory_space<vmem>>
        %dma_start3A_595 = tpu.memref_squeeze %dma_start3A_594 : memref<1x80xi32, #tpu.memory_space<vmem>> -> memref<80xi32, #tpu.memory_space<vmem>>
        %dma_start3A_596 = tpu.memref_slice %arg3[%add3A_591] : memref<1280000xi32, #tpu.memory_space<hbm>> -> memref<80xi32, #tpu.memory_space<hbm>>
        %dma_start3A_597 = arith.constant 0 : i32
        %dma_start3A_598 = tpu.memref_slice %arg10[%dma_start3A_592, %dma_start3A_597] : memref<2x80xi32, #tpu.memory_space<vmem>> -> memref<1x80xi32, #tpu.memory_space<vmem>>
        %dma_start3A_599 = tpu.memref_squeeze %dma_start3A_598 : memref<1x80xi32, #tpu.memory_space<vmem>> -> memref<80xi32, #tpu.memory_space<vmem>>
        %dma_start3A_600 = tpu.memref_slice %arg3[%add3A_591] : memref<1280000xi32, #tpu.memory_space<hbm>> -> memref<80xi32, #tpu.memory_space<hbm>>
        tpu.enqueue_dma source(%dma_start3A_600 : memref<80xi32, #tpu.memory_space<hbm>>) target(%dma_start3A_599 : memref<80xi32, #tpu.memory_space<vmem>>) target_semaphore(%arg22 : memref<!tpu.dma_semaphore, #tpu.memory_space<semaphore_mem>>)
        %add3A_601 = arith.addi %add3A_18, %mul3A_590 : i32
        %dma_start3A_602 = arith.constant 1 : i32
        %dma_start3A_603 = arith.constant 0 : i32
        %dma_start3A_604 = tpu.memref_slice %arg10[%dma_start3A_602, %dma_start3A_603] : memref<2x80xi32, #tpu.memory_space<vmem>> -> memref<1x80xi32, #tpu.memory_space<vmem>>
        %dma_start3A_605 = tpu.memref_squeeze %dma_start3A_604 : memref<1x80xi32, #tpu.memory_space<vmem>> -> memref<80xi32, #tpu.memory_space<vmem>>
        %dma_start3A_606 = tpu.memref_slice %arg3[%add3A_601] : memref<1280000xi32, #tpu.memory_space<hbm>> -> memref<80xi32, #tpu.memory_space<hbm>>
        %dma_start3A_607 = arith.constant 0 : i32
        %dma_start3A_608 = tpu.memref_slice %arg10[%dma_start3A_602, %dma_start3A_607] : memref<2x80xi32, #tpu.memory_space<vmem>> -> memref<1x80xi32, #tpu.memory_space<vmem>>
        %dma_start3A_609 = tpu.memref_squeeze %dma_start3A_608 : memref<1x80xi32, #tpu.memory_space<vmem>> -> memref<80xi32, #tpu.memory_space<vmem>>
        %dma_start3A_610 = tpu.memref_slice %arg3[%add3A_601] : memref<1280000xi32, #tpu.memory_space<hbm>> -> memref<80xi32, #tpu.memory_space<hbm>>
        tpu.enqueue_dma source(%dma_start3A_610 : memref<80xi32, #tpu.memory_space<hbm>>) target(%dma_start3A_609 : memref<80xi32, #tpu.memory_space<vmem>>) target_semaphore(%arg22 : memref<!tpu.dma_semaphore, #tpu.memory_space<semaphore_mem>>)
      } else {
      }
      %lt3A_515 = arith.constant 250 : i32
      %lt3A_516 = arith.cmpi slt, %add3A_504, %lt3A_515 : i32
      %convert_element_type3A_517 = arith.extui %lt3A_516 : i1 to i32
      %cond3A_518 = arith.constant 0 : i32
      %cond3A_519 = arith.cmpi ne, %convert_element_type3A_517, %cond3A_518 : i32
      scf.if %cond3A_519 {
        %dma_wait3A_589 = arith.constant 0 : i32
        %dma_wait3A_590 = arith.constant 0 : i32
        %dma_wait3A_591 = tpu.memref_slice %arg6[%dma_wait3A_589, %dma_wait3A_590] : memref<2x80xi32, #tpu.memory_space<vmem>> -> memref<1x80xi32, #tpu.memory_space<vmem>>
        %dma_wait3A_592 = tpu.memref_squeeze %dma_wait3A_591 : memref<1x80xi32, #tpu.memory_space<vmem>> -> memref<80xi32, #tpu.memory_space<vmem>>
        %dma_wait3A_593 = tpu.memref_slice %arg3[%add3A] : memref<1280000xi32, #tpu.memory_space<hbm>> -> memref<80xi32, #tpu.memory_space<hbm>>
        %dma_wait3A_594 = arith.constant 0 : i32
        %dma_wait3A_595 = tpu.memref_slice %arg6[%dma_wait3A_589, %dma_wait3A_594] : memref<2x80xi32, #tpu.memory_space<vmem>> -> memref<1x80xi32, #tpu.memory_space<vmem>>
        %dma_wait3A_596 = tpu.memref_squeeze %dma_wait3A_595 : memref<1x80xi32, #tpu.memory_space<vmem>> -> memref<80xi32, #tpu.memory_space<vmem>>
        %dma_wait3A_597 = tpu.memref_slice %arg3[%add3A] : memref<1280000xi32, #tpu.memory_space<hbm>> -> memref<80xi32, #tpu.memory_space<hbm>>
        tpu.wait_dma2 semaphore(%arg18 : memref<!tpu.dma_semaphore, #tpu.memory_space<semaphore_mem>>) src(%dma_wait3A_597 : memref<80xi32, #tpu.memory_space<hbm>>) dst(%dma_wait3A_596 : memref<80xi32, #tpu.memory_space<vmem>>)
        %dma_wait3A_598 = arith.constant 1 : i32
        %dma_wait3A_599 = arith.constant 0 : i32
        %dma_wait3A_600 = tpu.memref_slice %arg6[%dma_wait3A_598, %dma_wait3A_599] : memref<2x80xi32, #tpu.memory_space<vmem>> -> memref<1x80xi32, #tpu.memory_space<vmem>>
        %dma_wait3A_601 = tpu.memref_squeeze %dma_wait3A_600 : memref<1x80xi32, #tpu.memory_space<vmem>> -> memref<80xi32, #tpu.memory_space<vmem>>
        %dma_wait3A_602 = tpu.memref_slice %arg3[%add3A_18] : memref<1280000xi32, #tpu.memory_space<hbm>> -> memref<80xi32, #tpu.memory_space<hbm>>
        %dma_wait3A_603 = arith.constant 0 : i32
        %dma_wait3A_604 = tpu.memref_slice %arg6[%dma_wait3A_598, %dma_wait3A_603] : memref<2x80xi32, #tpu.memory_space<vmem>> -> memref<1x80xi32, #tpu.memory_space<vmem>>
        %dma_wait3A_605 = tpu.memref_squeeze %dma_wait3A_604 : memref<1x80xi32, #tpu.memory_space<vmem>> -> memref<80xi32, #tpu.memory_space<vmem>>
        %dma_wait3A_606 = tpu.memref_slice %arg3[%add3A_18] : memref<1280000xi32, #tpu.memory_space<hbm>> -> memref<80xi32, #tpu.memory_space<hbm>>
        tpu.wait_dma2 semaphore(%arg18 : memref<!tpu.dma_semaphore, #tpu.memory_space<semaphore_mem>>) src(%dma_wait3A_606 : memref<80xi32, #tpu.memory_space<hbm>>) dst(%dma_wait3A_605 : memref<80xi32, #tpu.memory_space<vmem>>)
        %dma_start3A_607 = arith.constant 0 : i32
        %dma_start3A_608 = arith.constant 0 : i32
        %dma_start3A_609 = tpu.memref_slice %arg6[%dma_start3A_607, %dma_start3A_608] : memref<2x80xi32, #tpu.memory_space<vmem>> -> memref<1x80xi32, #tpu.memory_space<vmem>>
        %dma_start3A_610 = tpu.memref_squeeze %dma_start3A_609 : memref<1x80xi32, #tpu.memory_space<vmem>> -> memref<80xi32, #tpu.memory_space<vmem>>
        %dma_start3A_611 = arith.constant 0 : i32
        %dma_start3A_612 = arith.constant 0 : i32
        %dma_start3A_613 = tpu.memref_slice %arg2[%dma_start3A_611, %dma_start3A_612] : memref<10000x128xf32, #tpu.memory_space<hbm>> -> memref<10000x128xf32, #tpu.memory_space<hbm>>
        tpu.enqueue_indirect_dma source(%dma_start3A_613 : memref<10000x128xf32, #tpu.memory_space<hbm>>) target(%arg14 : memref<80x128xf32, #tpu.memory_space<vmem>>) offsets(%dma_start3A_610 : memref<80xi32, #tpu.memory_space<vmem>>) semaphore(%arg26 : memref<!tpu.dma_semaphore, #tpu.memory_space<semaphore_mem>>)
      } else {
      }
      %add3A_520 = arith.constant 4 : i32
      %add3A_521 = arith.addi %mul3A_335, %add3A_520 : i32
      %add3A_522 = arith.constant 1 : i32
      %add3A_523 = arith.addi %add3A_521, %add3A_522 : i32
      %add3A_524 = arith.constant 8 : i32
      %add3A_525 = arith.addi %add3A_523, %add3A_524 : i32
      %add3A_526 = arith.constant 4 : i32
      %add3A_527 = arith.addi %add3A_523, %add3A_526 : i32
      %lt3A_528 = arith.constant 250 : i32
      %lt3A_529 = arith.cmpi slt, %add3A_523, %lt3A_528 : i32
      %convert_element_type3A_530 = arith.extui %lt3A_529 : i1 to i32
      %cond3A_531 = arith.constant 0 : i32
      %cond3A_532 = arith.cmpi ne, %convert_element_type3A_530, %cond3A_531 : i32
      scf.if %cond3A_532 {
        %dma_wait3A_589 = arith.constant 1 : i32
        %dma_wait3A_590 = arith.constant 0 : i32
        %dma_wait3A_591 = tpu.memref_slice %arg11[%dma_wait3A_589, %dma_wait3A_590] : memref<2x80xi32, #tpu.memory_space<vmem>> -> memref<1x80xi32, #tpu.memory_space<vmem>>
        %dma_wait3A_592 = tpu.memref_squeeze %dma_wait3A_591 : memref<1x80xi32, #tpu.memory_space<vmem>> -> memref<80xi32, #tpu.memory_space<vmem>>
        %dma_wait3A_593 = arith.constant 0 : i32
        %dma_wait3A_594 = arith.constant 0 : i32
        %dma_wait3A_595 = tpu.memref_slice %arg5[%dma_wait3A_593, %dma_wait3A_594] : memref<10008x128xf32, #tpu.memory_space<vmem_shared>> -> memref<10008x128xf32, #tpu.memory_space<vmem_shared>>
        tpu.wait_indirect_dma semaphore(%arg31 : memref<!tpu.dma_semaphore, #tpu.memory_space<semaphore_mem>>) src(%arg15 : memref<80x128xf32, #tpu.memory_space<vmem>>) dst(%dma_wait3A_595 : memref<10008x128xf32, #tpu.memory_space<vmem_shared>>)
      } else {
      }
      %lt3A_533 = arith.constant 250 : i32
      %lt3A_534 = arith.cmpi slt, %add3A_525, %lt3A_533 : i32
      %convert_element_type3A_535 = arith.extui %lt3A_534 : i1 to i32
      %cond3A_536 = arith.constant 0 : i32
      %cond3A_537 = arith.cmpi ne, %convert_element_type3A_535, %cond3A_536 : i32
      scf.if %cond3A_537 {
        %mul3A_589 = arith.constant 80 : i32
        %mul3A_590 = arith.muli %add3A_525, %mul3A_589 : i32
        %add3A_591 = arith.addi %add3A, %mul3A_590 : i32
        %dma_start3A_592 = arith.constant 0 : i32
        %dma_start3A_593 = arith.constant 0 : i32
        %dma_start3A_594 = tpu.memref_slice %arg11[%dma_start3A_592, %dma_start3A_593] : memref<2x80xi32, #tpu.memory_space<vmem>> -> memref<1x80xi32, #tpu.memory_space<vmem>>
        %dma_start3A_595 = tpu.memref_squeeze %dma_start3A_594 : memref<1x80xi32, #tpu.memory_space<vmem>> -> memref<80xi32, #tpu.memory_space<vmem>>
        %dma_start3A_596 = tpu.memref_slice %arg3[%add3A_591] : memref<1280000xi32, #tpu.memory_space<hbm>> -> memref<80xi32, #tpu.memory_space<hbm>>
        %dma_start3A_597 = arith.constant 0 : i32
        %dma_start3A_598 = tpu.memref_slice %arg11[%dma_start3A_592, %dma_start3A_597] : memref<2x80xi32, #tpu.memory_space<vmem>> -> memref<1x80xi32, #tpu.memory_space<vmem>>
        %dma_start3A_599 = tpu.memref_squeeze %dma_start3A_598 : memref<1x80xi32, #tpu.memory_space<vmem>> -> memref<80xi32, #tpu.memory_space<vmem>>
        %dma_start3A_600 = tpu.memref_slice %arg3[%add3A_591] : memref<1280000xi32, #tpu.memory_space<hbm>> -> memref<80xi32, #tpu.memory_space<hbm>>
        tpu.enqueue_dma source(%dma_start3A_600 : memref<80xi32, #tpu.memory_space<hbm>>) target(%dma_start3A_599 : memref<80xi32, #tpu.memory_space<vmem>>) target_semaphore(%arg23 : memref<!tpu.dma_semaphore, #tpu.memory_space<semaphore_mem>>)
        %add3A_601 = arith.addi %add3A_18, %mul3A_590 : i32
        %dma_start3A_602 = arith.constant 1 : i32
        %dma_start3A_603 = arith.constant 0 : i32
        %dma_start3A_604 = tpu.memref_slice %arg11[%dma_start3A_602, %dma_start3A_603] : memref<2x80xi32, #tpu.memory_space<vmem>> -> memref<1x80xi32, #tpu.memory_space<vmem>>
        %dma_start3A_605 = tpu.memref_squeeze %dma_start3A_604 : memref<1x80xi32, #tpu.memory_space<vmem>> -> memref<80xi32, #tpu.memory_space<vmem>>
        %dma_start3A_606 = tpu.memref_slice %arg3[%add3A_601] : memref<1280000xi32, #tpu.memory_space<hbm>> -> memref<80xi32, #tpu.memory_space<hbm>>
        %dma_start3A_607 = arith.constant 0 : i32
        %dma_start3A_608 = tpu.memref_slice %arg11[%dma_start3A_602, %dma_start3A_607] : memref<2x80xi32, #tpu.memory_space<vmem>> -> memref<1x80xi32, #tpu.memory_space<vmem>>
        %dma_start3A_609 = tpu.memref_squeeze %dma_start3A_608 : memref<1x80xi32, #tpu.memory_space<vmem>> -> memref<80xi32, #tpu.memory_space<vmem>>
        %dma_start3A_610 = tpu.memref_slice %arg3[%add3A_601] : memref<1280000xi32, #tpu.memory_space<hbm>> -> memref<80xi32, #tpu.memory_space<hbm>>
        tpu.enqueue_dma source(%dma_start3A_610 : memref<80xi32, #tpu.memory_space<hbm>>) target(%dma_start3A_609 : memref<80xi32, #tpu.memory_space<vmem>>) target_semaphore(%arg23 : memref<!tpu.dma_semaphore, #tpu.memory_space<semaphore_mem>>)
      } else {
      }
      %lt3A_538 = arith.constant 250 : i32
      %lt3A_539 = arith.cmpi slt, %add3A_527, %lt3A_538 : i32
      %convert_element_type3A_540 = arith.extui %lt3A_539 : i1 to i32
      %cond3A_541 = arith.constant 0 : i32
      %cond3A_542 = arith.cmpi ne, %convert_element_type3A_540, %cond3A_541 : i32
      scf.if %cond3A_542 {
        %dma_wait3A_589 = arith.constant 0 : i32
        %dma_wait3A_590 = arith.constant 0 : i32
        %dma_wait3A_591 = tpu.memref_slice %arg7[%dma_wait3A_589, %dma_wait3A_590] : memref<2x80xi32, #tpu.memory_space<vmem>> -> memref<1x80xi32, #tpu.memory_space<vmem>>
        %dma_wait3A_592 = tpu.memref_squeeze %dma_wait3A_591 : memref<1x80xi32, #tpu.memory_space<vmem>> -> memref<80xi32, #tpu.memory_space<vmem>>
        %dma_wait3A_593 = tpu.memref_slice %arg3[%add3A] : memref<1280000xi32, #tpu.memory_space<hbm>> -> memref<80xi32, #tpu.memory_space<hbm>>
        %dma_wait3A_594 = arith.constant 0 : i32
        %dma_wait3A_595 = tpu.memref_slice %arg7[%dma_wait3A_589, %dma_wait3A_594] : memref<2x80xi32, #tpu.memory_space<vmem>> -> memref<1x80xi32, #tpu.memory_space<vmem>>
        %dma_wait3A_596 = tpu.memref_squeeze %dma_wait3A_595 : memref<1x80xi32, #tpu.memory_space<vmem>> -> memref<80xi32, #tpu.memory_space<vmem>>
        %dma_wait3A_597 = tpu.memref_slice %arg3[%add3A] : memref<1280000xi32, #tpu.memory_space<hbm>> -> memref<80xi32, #tpu.memory_space<hbm>>
        tpu.wait_dma2 semaphore(%arg19 : memref<!tpu.dma_semaphore, #tpu.memory_space<semaphore_mem>>) src(%dma_wait3A_597 : memref<80xi32, #tpu.memory_space<hbm>>) dst(%dma_wait3A_596 : memref<80xi32, #tpu.memory_space<vmem>>)
        %dma_wait3A_598 = arith.constant 1 : i32
        %dma_wait3A_599 = arith.constant 0 : i32
        %dma_wait3A_600 = tpu.memref_slice %arg7[%dma_wait3A_598, %dma_wait3A_599] : memref<2x80xi32, #tpu.memory_space<vmem>> -> memref<1x80xi32, #tpu.memory_space<vmem>>
        %dma_wait3A_601 = tpu.memref_squeeze %dma_wait3A_600 : memref<1x80xi32, #tpu.memory_space<vmem>> -> memref<80xi32, #tpu.memory_space<vmem>>
        %dma_wait3A_602 = tpu.memref_slice %arg3[%add3A_18] : memref<1280000xi32, #tpu.memory_space<hbm>> -> memref<80xi32, #tpu.memory_space<hbm>>
        %dma_wait3A_603 = arith.constant 0 : i32
        %dma_wait3A_604 = tpu.memref_slice %arg7[%dma_wait3A_598, %dma_wait3A_603] : memref<2x80xi32, #tpu.memory_space<vmem>> -> memref<1x80xi32, #tpu.memory_space<vmem>>
        %dma_wait3A_605 = tpu.memref_squeeze %dma_wait3A_604 : memref<1x80xi32, #tpu.memory_space<vmem>> -> memref<80xi32, #tpu.memory_space<vmem>>
        %dma_wait3A_606 = tpu.memref_slice %arg3[%add3A_18] : memref<1280000xi32, #tpu.memory_space<hbm>> -> memref<80xi32, #tpu.memory_space<hbm>>
        tpu.wait_dma2 semaphore(%arg19 : memref<!tpu.dma_semaphore, #tpu.memory_space<semaphore_mem>>) src(%dma_wait3A_606 : memref<80xi32, #tpu.memory_space<hbm>>) dst(%dma_wait3A_605 : memref<80xi32, #tpu.memory_space<vmem>>)
        %dma_start3A_607 = arith.constant 0 : i32
        %dma_start3A_608 = arith.constant 0 : i32
        %dma_start3A_609 = tpu.memref_slice %arg7[%dma_start3A_607, %dma_start3A_608] : memref<2x80xi32, #tpu.memory_space<vmem>> -> memref<1x80xi32, #tpu.memory_space<vmem>>
        %dma_start3A_610 = tpu.memref_squeeze %dma_start3A_609 : memref<1x80xi32, #tpu.memory_space<vmem>> -> memref<80xi32, #tpu.memory_space<vmem>>
        %dma_start3A_611 = arith.constant 0 : i32
        %dma_start3A_612 = arith.constant 0 : i32
        %dma_start3A_613 = tpu.memref_slice %arg2[%dma_start3A_611, %dma_start3A_612] : memref<10000x128xf32, #tpu.memory_space<hbm>> -> memref<10000x128xf32, #tpu.memory_space<hbm>>
        tpu.enqueue_indirect_dma source(%dma_start3A_613 : memref<10000x128xf32, #tpu.memory_space<hbm>>) target(%arg15 : memref<80x128xf32, #tpu.memory_space<vmem>>) offsets(%dma_start3A_610 : memref<80xi32, #tpu.memory_space<vmem>>) semaphore(%arg27 : memref<!tpu.dma_semaphore, #tpu.memory_space<semaphore_mem>>)
      } else {
      }
      %add3A_543 = arith.constant 4 : i32
      %add3A_544 = arith.addi %mul3A_335, %add3A_543 : i32
      %add3A_545 = arith.constant 2 : i32
      %add3A_546 = arith.addi %add3A_544, %add3A_545 : i32
      %add3A_547 = arith.constant 8 : i32
      %add3A_548 = arith.addi %add3A_546, %add3A_547 : i32
      %add3A_549 = arith.constant 4 : i32
      %add3A_550 = arith.addi %add3A_546, %add3A_549 : i32
      %lt3A_551 = arith.constant 250 : i32
      %lt3A_552 = arith.cmpi slt, %add3A_546, %lt3A_551 : i32
      %convert_element_type3A_553 = arith.extui %lt3A_552 : i1 to i32
      %cond3A_554 = arith.constant 0 : i32
      %cond3A_555 = arith.cmpi ne, %convert_element_type3A_553, %cond3A_554 : i32
      scf.if %cond3A_555 {
        %dma_wait3A_589 = arith.constant 1 : i32
        %dma_wait3A_590 = arith.constant 0 : i32
        %dma_wait3A_591 = tpu.memref_slice %arg12[%dma_wait3A_589, %dma_wait3A_590] : memref<2x80xi32, #tpu.memory_space<vmem>> -> memref<1x80xi32, #tpu.memory_space<vmem>>
        %dma_wait3A_592 = tpu.memref_squeeze %dma_wait3A_591 : memref<1x80xi32, #tpu.memory_space<vmem>> -> memref<80xi32, #tpu.memory_space<vmem>>
        %dma_wait3A_593 = arith.constant 0 : i32
        %dma_wait3A_594 = arith.constant 0 : i32
        %dma_wait3A_595 = tpu.memref_slice %arg5[%dma_wait3A_593, %dma_wait3A_594] : memref<10008x128xf32, #tpu.memory_space<vmem_shared>> -> memref<10008x128xf32, #tpu.memory_space<vmem_shared>>
        tpu.wait_indirect_dma semaphore(%arg32 : memref<!tpu.dma_semaphore, #tpu.memory_space<semaphore_mem>>) src(%arg16 : memref<80x128xf32, #tpu.memory_space<vmem>>) dst(%dma_wait3A_595 : memref<10008x128xf32, #tpu.memory_space<vmem_shared>>)
      } else {
      }
      %lt3A_556 = arith.constant 250 : i32
      %lt3A_557 = arith.cmpi slt, %add3A_548, %lt3A_556 : i32
      %convert_element_type3A_558 = arith.extui %lt3A_557 : i1 to i32
      %cond3A_559 = arith.constant 0 : i32
      %cond3A_560 = arith.cmpi ne, %convert_element_type3A_558, %cond3A_559 : i32
      scf.if %cond3A_560 {
        %mul3A_589 = arith.constant 80 : i32
        %mul3A_590 = arith.muli %add3A_548, %mul3A_589 : i32
        %add3A_591 = arith.addi %add3A, %mul3A_590 : i32
        %dma_start3A_592 = arith.constant 0 : i32
        %dma_start3A_593 = arith.constant 0 : i32
        %dma_start3A_594 = tpu.memref_slice %arg12[%dma_start3A_592, %dma_start3A_593] : memref<2x80xi32, #tpu.memory_space<vmem>> -> memref<1x80xi32, #tpu.memory_space<vmem>>
        %dma_start3A_595 = tpu.memref_squeeze %dma_start3A_594 : memref<1x80xi32, #tpu.memory_space<vmem>> -> memref<80xi32, #tpu.memory_space<vmem>>
        %dma_start3A_596 = tpu.memref_slice %arg3[%add3A_591] : memref<1280000xi32, #tpu.memory_space<hbm>> -> memref<80xi32, #tpu.memory_space<hbm>>
        %dma_start3A_597 = arith.constant 0 : i32
        %dma_start3A_598 = tpu.memref_slice %arg12[%dma_start3A_592, %dma_start3A_597] : memref<2x80xi32, #tpu.memory_space<vmem>> -> memref<1x80xi32, #tpu.memory_space<vmem>>
        %dma_start3A_599 = tpu.memref_squeeze %dma_start3A_598 : memref<1x80xi32, #tpu.memory_space<vmem>> -> memref<80xi32, #tpu.memory_space<vmem>>
        %dma_start3A_600 = tpu.memref_slice %arg3[%add3A_591] : memref<1280000xi32, #tpu.memory_space<hbm>> -> memref<80xi32, #tpu.memory_space<hbm>>
        tpu.enqueue_dma source(%dma_start3A_600 : memref<80xi32, #tpu.memory_space<hbm>>) target(%dma_start3A_599 : memref<80xi32, #tpu.memory_space<vmem>>) target_semaphore(%arg24 : memref<!tpu.dma_semaphore, #tpu.memory_space<semaphore_mem>>)
        %add3A_601 = arith.addi %add3A_18, %mul3A_590 : i32
        %dma_start3A_602 = arith.constant 1 : i32
        %dma_start3A_603 = arith.constant 0 : i32
        %dma_start3A_604 = tpu.memref_slice %arg12[%dma_start3A_602, %dma_start3A_603] : memref<2x80xi32, #tpu.memory_space<vmem>> -> memref<1x80xi32, #tpu.memory_space<vmem>>
        %dma_start3A_605 = tpu.memref_squeeze %dma_start3A_604 : memref<1x80xi32, #tpu.memory_space<vmem>> -> memref<80xi32, #tpu.memory_space<vmem>>
        %dma_start3A_606 = tpu.memref_slice %arg3[%add3A_601] : memref<1280000xi32, #tpu.memory_space<hbm>> -> memref<80xi32, #tpu.memory_space<hbm>>
        %dma_start3A_607 = arith.constant 0 : i32
        %dma_start3A_608 = tpu.memref_slice %arg12[%dma_start3A_602, %dma_start3A_607] : memref<2x80xi32, #tpu.memory_space<vmem>> -> memref<1x80xi32, #tpu.memory_space<vmem>>
        %dma_start3A_609 = tpu.memref_squeeze %dma_start3A_608 : memref<1x80xi32, #tpu.memory_space<vmem>> -> memref<80xi32, #tpu.memory_space<vmem>>
        %dma_start3A_610 = tpu.memref_slice %arg3[%add3A_601] : memref<1280000xi32, #tpu.memory_space<hbm>> -> memref<80xi32, #tpu.memory_space<hbm>>
        tpu.enqueue_dma source(%dma_start3A_610 : memref<80xi32, #tpu.memory_space<hbm>>) target(%dma_start3A_609 : memref<80xi32, #tpu.memory_space<vmem>>) target_semaphore(%arg24 : memref<!tpu.dma_semaphore, #tpu.memory_space<semaphore_mem>>)
      } else {
      }
      %lt3A_561 = arith.constant 250 : i32
      %lt3A_562 = arith.cmpi slt, %add3A_550, %lt3A_561 : i32
      %convert_element_type3A_563 = arith.extui %lt3A_562 : i1 to i32
      %cond3A_564 = arith.constant 0 : i32
      %cond3A_565 = arith.cmpi ne, %convert_element_type3A_563, %cond3A_564 : i32
      scf.if %cond3A_565 {
        %dma_wait3A_589 = arith.constant 0 : i32
        %dma_wait3A_590 = arith.constant 0 : i32
        %dma_wait3A_591 = tpu.memref_slice %arg8[%dma_wait3A_589, %dma_wait3A_590] : memref<2x80xi32, #tpu.memory_space<vmem>> -> memref<1x80xi32, #tpu.memory_space<vmem>>
        %dma_wait3A_592 = tpu.memref_squeeze %dma_wait3A_591 : memref<1x80xi32, #tpu.memory_space<vmem>> -> memref<80xi32, #tpu.memory_space<vmem>>
        %dma_wait3A_593 = tpu.memref_slice %arg3[%add3A] : memref<1280000xi32, #tpu.memory_space<hbm>> -> memref<80xi32, #tpu.memory_space<hbm>>
        %dma_wait3A_594 = arith.constant 0 : i32
        %dma_wait3A_595 = tpu.memref_slice %arg8[%dma_wait3A_589, %dma_wait3A_594] : memref<2x80xi32, #tpu.memory_space<vmem>> -> memref<1x80xi32, #tpu.memory_space<vmem>>
        %dma_wait3A_596 = tpu.memref_squeeze %dma_wait3A_595 : memref<1x80xi32, #tpu.memory_space<vmem>> -> memref<80xi32, #tpu.memory_space<vmem>>
        %dma_wait3A_597 = tpu.memref_slice %arg3[%add3A] : memref<1280000xi32, #tpu.memory_space<hbm>> -> memref<80xi32, #tpu.memory_space<hbm>>
        tpu.wait_dma2 semaphore(%arg20 : memref<!tpu.dma_semaphore, #tpu.memory_space<semaphore_mem>>) src(%dma_wait3A_597 : memref<80xi32, #tpu.memory_space<hbm>>) dst(%dma_wait3A_596 : memref<80xi32, #tpu.memory_space<vmem>>)
        %dma_wait3A_598 = arith.constant 1 : i32
        %dma_wait3A_599 = arith.constant 0 : i32
        %dma_wait3A_600 = tpu.memref_slice %arg8[%dma_wait3A_598, %dma_wait3A_599] : memref<2x80xi32, #tpu.memory_space<vmem>> -> memref<1x80xi32, #tpu.memory_space<vmem>>
        %dma_wait3A_601 = tpu.memref_squeeze %dma_wait3A_600 : memref<1x80xi32, #tpu.memory_space<vmem>> -> memref<80xi32, #tpu.memory_space<vmem>>
        %dma_wait3A_602 = tpu.memref_slice %arg3[%add3A_18] : memref<1280000xi32, #tpu.memory_space<hbm>> -> memref<80xi32, #tpu.memory_space<hbm>>
        %dma_wait3A_603 = arith.constant 0 : i32
        %dma_wait3A_604 = tpu.memref_slice %arg8[%dma_wait3A_598, %dma_wait3A_603] : memref<2x80xi32, #tpu.memory_space<vmem>> -> memref<1x80xi32, #tpu.memory_space<vmem>>
        %dma_wait3A_605 = tpu.memref_squeeze %dma_wait3A_604 : memref<1x80xi32, #tpu.memory_space<vmem>> -> memref<80xi32, #tpu.memory_space<vmem>>
        %dma_wait3A_606 = tpu.memref_slice %arg3[%add3A_18] : memref<1280000xi32, #tpu.memory_space<hbm>> -> memref<80xi32, #tpu.memory_space<hbm>>
        tpu.wait_dma2 semaphore(%arg20 : memref<!tpu.dma_semaphore, #tpu.memory_space<semaphore_mem>>) src(%dma_wait3A_606 : memref<80xi32, #tpu.memory_space<hbm>>) dst(%dma_wait3A_605 : memref<80xi32, #tpu.memory_space<vmem>>)
        %dma_start3A_607 = arith.constant 0 : i32
        %dma_start3A_608 = arith.constant 0 : i32
        %dma_start3A_609 = tpu.memref_slice %arg8[%dma_start3A_607, %dma_start3A_608] : memref<2x80xi32, #tpu.memory_space<vmem>> -> memref<1x80xi32, #tpu.memory_space<vmem>>
        %dma_start3A_610 = tpu.memref_squeeze %dma_start3A_609 : memref<1x80xi32, #tpu.memory_space<vmem>> -> memref<80xi32, #tpu.memory_space<vmem>>
        %dma_start3A_611 = arith.constant 0 : i32
        %dma_start3A_612 = arith.constant 0 : i32
        %dma_start3A_613 = tpu.memref_slice %arg2[%dma_start3A_611, %dma_start3A_612] : memref<10000x128xf32, #tpu.memory_space<hbm>> -> memref<10000x128xf32, #tpu.memory_space<hbm>>
        tpu.enqueue_indirect_dma source(%dma_start3A_613 : memref<10000x128xf32, #tpu.memory_space<hbm>>) target(%arg16 : memref<80x128xf32, #tpu.memory_space<vmem>>) offsets(%dma_start3A_610 : memref<80xi32, #tpu.memory_space<vmem>>) semaphore(%arg28 : memref<!tpu.dma_semaphore, #tpu.memory_space<semaphore_mem>>)
      } else {
      }
      %add3A_566 = arith.constant 4 : i32
      %add3A_567 = arith.addi %mul3A_335, %add3A_566 : i32
      %add3A_568 = arith.constant 3 : i32
      %add3A_569 = arith.addi %add3A_567, %add3A_568 : i32
      %add3A_570 = arith.constant 8 : i32
      %add3A_571 = arith.addi %add3A_569, %add3A_570 : i32
      %add3A_572 = arith.constant 4 : i32
      %add3A_573 = arith.addi %add3A_569, %add3A_572 : i32
      %lt3A_574 = arith.constant 250 : i32
      %lt3A_575 = arith.cmpi slt, %add3A_569, %lt3A_574 : i32
      %convert_element_type3A_576 = arith.extui %lt3A_575 : i1 to i32
      %cond3A_577 = arith.constant 0 : i32
      %cond3A_578 = arith.cmpi ne, %convert_element_type3A_576, %cond3A_577 : i32
      scf.if %cond3A_578 {
        %dma_wait3A_589 = arith.constant 1 : i32
        %dma_wait3A_590 = arith.constant 0 : i32
        %dma_wait3A_591 = tpu.memref_slice %arg13[%dma_wait3A_589, %dma_wait3A_590] : memref<2x80xi32, #tpu.memory_space<vmem>> -> memref<1x80xi32, #tpu.memory_space<vmem>>
        %dma_wait3A_592 = tpu.memref_squeeze %dma_wait3A_591 : memref<1x80xi32, #tpu.memory_space<vmem>> -> memref<80xi32, #tpu.memory_space<vmem>>
        %dma_wait3A_593 = arith.constant 0 : i32
        %dma_wait3A_594 = arith.constant 0 : i32
        %dma_wait3A_595 = tpu.memref_slice %arg5[%dma_wait3A_593, %dma_wait3A_594] : memref<10008x128xf32, #tpu.memory_space<vmem_shared>> -> memref<10008x128xf32, #tpu.memory_space<vmem_shared>>
        tpu.wait_indirect_dma semaphore(%arg33 : memref<!tpu.dma_semaphore, #tpu.memory_space<semaphore_mem>>) src(%arg17 : memref<80x128xf32, #tpu.memory_space<vmem>>) dst(%dma_wait3A_595 : memref<10008x128xf32, #tpu.memory_space<vmem_shared>>)
      } else {
      }
      %lt3A_579 = arith.constant 250 : i32
      %lt3A_580 = arith.cmpi slt, %add3A_571, %lt3A_579 : i32
      %convert_element_type3A_581 = arith.extui %lt3A_580 : i1 to i32
      %cond3A_582 = arith.constant 0 : i32
      %cond3A_583 = arith.cmpi ne, %convert_element_type3A_581, %cond3A_582 : i32
      scf.if %cond3A_583 {
        %mul3A_589 = arith.constant 80 : i32
        %mul3A_590 = arith.muli %add3A_571, %mul3A_589 : i32
        %add3A_591 = arith.addi %add3A, %mul3A_590 : i32
        %dma_start3A_592 = arith.constant 0 : i32
        %dma_start3A_593 = arith.constant 0 : i32
        %dma_start3A_594 = tpu.memref_slice %arg13[%dma_start3A_592, %dma_start3A_593] : memref<2x80xi32, #tpu.memory_space<vmem>> -> memref<1x80xi32, #tpu.memory_space<vmem>>
        %dma_start3A_595 = tpu.memref_squeeze %dma_start3A_594 : memref<1x80xi32, #tpu.memory_space<vmem>> -> memref<80xi32, #tpu.memory_space<vmem>>
        %dma_start3A_596 = tpu.memref_slice %arg3[%add3A_591] : memref<1280000xi32, #tpu.memory_space<hbm>> -> memref<80xi32, #tpu.memory_space<hbm>>
        %dma_start3A_597 = arith.constant 0 : i32
        %dma_start3A_598 = tpu.memref_slice %arg13[%dma_start3A_592, %dma_start3A_597] : memref<2x80xi32, #tpu.memory_space<vmem>> -> memref<1x80xi32, #tpu.memory_space<vmem>>
        %dma_start3A_599 = tpu.memref_squeeze %dma_start3A_598 : memref<1x80xi32, #tpu.memory_space<vmem>> -> memref<80xi32, #tpu.memory_space<vmem>>
        %dma_start3A_600 = tpu.memref_slice %arg3[%add3A_591] : memref<1280000xi32, #tpu.memory_space<hbm>> -> memref<80xi32, #tpu.memory_space<hbm>>
        tpu.enqueue_dma source(%dma_start3A_600 : memref<80xi32, #tpu.memory_space<hbm>>) target(%dma_start3A_599 : memref<80xi32, #tpu.memory_space<vmem>>) target_semaphore(%arg25 : memref<!tpu.dma_semaphore, #tpu.memory_space<semaphore_mem>>)
        %add3A_601 = arith.addi %add3A_18, %mul3A_590 : i32
        %dma_start3A_602 = arith.constant 1 : i32
        %dma_start3A_603 = arith.constant 0 : i32
        %dma_start3A_604 = tpu.memref_slice %arg13[%dma_start3A_602, %dma_start3A_603] : memref<2x80xi32, #tpu.memory_space<vmem>> -> memref<1x80xi32, #tpu.memory_space<vmem>>
        %dma_start3A_605 = tpu.memref_squeeze %dma_start3A_604 : memref<1x80xi32, #tpu.memory_space<vmem>> -> memref<80xi32, #tpu.memory_space<vmem>>
        %dma_start3A_606 = tpu.memref_slice %arg3[%add3A_601] : memref<1280000xi32, #tpu.memory_space<hbm>> -> memref<80xi32, #tpu.memory_space<hbm>>
        %dma_start3A_607 = arith.constant 0 : i32
        %dma_start3A_608 = tpu.memref_slice %arg13[%dma_start3A_602, %dma_start3A_607] : memref<2x80xi32, #tpu.memory_space<vmem>> -> memref<1x80xi32, #tpu.memory_space<vmem>>
        %dma_start3A_609 = tpu.memref_squeeze %dma_start3A_608 : memref<1x80xi32, #tpu.memory_space<vmem>> -> memref<80xi32, #tpu.memory_space<vmem>>
        %dma_start3A_610 = tpu.memref_slice %arg3[%add3A_601] : memref<1280000xi32, #tpu.memory_space<hbm>> -> memref<80xi32, #tpu.memory_space<hbm>>
        tpu.enqueue_dma source(%dma_start3A_610 : memref<80xi32, #tpu.memory_space<hbm>>) target(%dma_start3A_609 : memref<80xi32, #tpu.memory_space<vmem>>) target_semaphore(%arg25 : memref<!tpu.dma_semaphore, #tpu.memory_space<semaphore_mem>>)
      } else {
      }
      %lt3A_584 = arith.constant 250 : i32
      %lt3A_585 = arith.cmpi slt, %add3A_573, %lt3A_584 : i32
      %convert_element_type3A_586 = arith.extui %lt3A_585 : i1 to i32
      %cond3A_587 = arith.constant 0 : i32
      %cond3A_588 = arith.cmpi ne, %convert_element_type3A_586, %cond3A_587 : i32
      scf.if %cond3A_588 {
        %dma_wait3A_589 = arith.constant 0 : i32
        %dma_wait3A_590 = arith.constant 0 : i32
        %dma_wait3A_591 = tpu.memref_slice %arg9[%dma_wait3A_589, %dma_wait3A_590] : memref<2x80xi32, #tpu.memory_space<vmem>> -> memref<1x80xi32, #tpu.memory_space<vmem>>
        %dma_wait3A_592 = tpu.memref_squeeze %dma_wait3A_591 : memref<1x80xi32, #tpu.memory_space<vmem>> -> memref<80xi32, #tpu.memory_space<vmem>>
        %dma_wait3A_593 = tpu.memref_slice %arg3[%add3A] : memref<1280000xi32, #tpu.memory_space<hbm>> -> memref<80xi32, #tpu.memory_space<hbm>>
        %dma_wait3A_594 = arith.constant 0 : i32
        %dma_wait3A_595 = tpu.memref_slice %arg9[%dma_wait3A_589, %dma_wait3A_594] : memref<2x80xi32, #tpu.memory_space<vmem>> -> memref<1x80xi32, #tpu.memory_space<vmem>>
        %dma_wait3A_596 = tpu.memref_squeeze %dma_wait3A_595 : memref<1x80xi32, #tpu.memory_space<vmem>> -> memref<80xi32, #tpu.memory_space<vmem>>
        %dma_wait3A_597 = tpu.memref_slice %arg3[%add3A] : memref<1280000xi32, #tpu.memory_space<hbm>> -> memref<80xi32, #tpu.memory_space<hbm>>
        tpu.wait_dma2 semaphore(%arg21 : memref<!tpu.dma_semaphore, #tpu.memory_space<semaphore_mem>>) src(%dma_wait3A_597 : memref<80xi32, #tpu.memory_space<hbm>>) dst(%dma_wait3A_596 : memref<80xi32, #tpu.memory_space<vmem>>)
        %dma_wait3A_598 = arith.constant 1 : i32
        %dma_wait3A_599 = arith.constant 0 : i32
        %dma_wait3A_600 = tpu.memref_slice %arg9[%dma_wait3A_598, %dma_wait3A_599] : memref<2x80xi32, #tpu.memory_space<vmem>> -> memref<1x80xi32, #tpu.memory_space<vmem>>
        %dma_wait3A_601 = tpu.memref_squeeze %dma_wait3A_600 : memref<1x80xi32, #tpu.memory_space<vmem>> -> memref<80xi32, #tpu.memory_space<vmem>>
        %dma_wait3A_602 = tpu.memref_slice %arg3[%add3A_18] : memref<1280000xi32, #tpu.memory_space<hbm>> -> memref<80xi32, #tpu.memory_space<hbm>>
        %dma_wait3A_603 = arith.constant 0 : i32
        %dma_wait3A_604 = tpu.memref_slice %arg9[%dma_wait3A_598, %dma_wait3A_603] : memref<2x80xi32, #tpu.memory_space<vmem>> -> memref<1x80xi32, #tpu.memory_space<vmem>>
        %dma_wait3A_605 = tpu.memref_squeeze %dma_wait3A_604 : memref<1x80xi32, #tpu.memory_space<vmem>> -> memref<80xi32, #tpu.memory_space<vmem>>
        %dma_wait3A_606 = tpu.memref_slice %arg3[%add3A_18] : memref<1280000xi32, #tpu.memory_space<hbm>> -> memref<80xi32, #tpu.memory_space<hbm>>
        tpu.wait_dma2 semaphore(%arg21 : memref<!tpu.dma_semaphore, #tpu.memory_space<semaphore_mem>>) src(%dma_wait3A_606 : memref<80xi32, #tpu.memory_space<hbm>>) dst(%dma_wait3A_605 : memref<80xi32, #tpu.memory_space<vmem>>)
        %dma_start3A_607 = arith.constant 0 : i32
        %dma_start3A_608 = arith.constant 0 : i32
        %dma_start3A_609 = tpu.memref_slice %arg9[%dma_start3A_607, %dma_start3A_608] : memref<2x80xi32, #tpu.memory_space<vmem>> -> memref<1x80xi32, #tpu.memory_space<vmem>>
        %dma_start3A_610 = tpu.memref_squeeze %dma_start3A_609 : memref<1x80xi32, #tpu.memory_space<vmem>> -> memref<80xi32, #tpu.memory_space<vmem>>
        %dma_start3A_611 = arith.constant 0 : i32
        %dma_start3A_612 = arith.constant 0 : i32
        %dma_start3A_613 = tpu.memref_slice %arg2[%dma_start3A_611, %dma_start3A_612] : memref<10000x128xf32, #tpu.memory_space<hbm>> -> memref<10000x128xf32, #tpu.memory_space<hbm>>
        tpu.enqueue_indirect_dma source(%dma_start3A_613 : memref<10000x128xf32, #tpu.memory_space<hbm>>) target(%arg17 : memref<80x128xf32, #tpu.memory_space<vmem>>) offsets(%dma_start3A_610 : memref<80xi32, #tpu.memory_space<vmem>>) semaphore(%arg29 : memref<!tpu.dma_semaphore, #tpu.memory_space<semaphore_mem>>)
      } else {
      }
    }
    %scan3A_311 = arith.constant 32 : i32
    %barrier3A_312 = arith.constant 0 : index
    tpu.barrier barrier_id(%barrier3A_312)
    %mul3A_313 = arith.constant 128 : i32
    %mul3A_314 = arith.muli %arg0, %mul3A_313 : i32
    %multiple_of3A = tpu.assume_multiple %mul3A_314, 128 : i32
    %scan3A_315 = arith.constant 0 : i32
    %scan3A_316 = arith.constant 0 : i32
    %scan3A_317 = arith.constant 8 : i32
    %scan3A_318 = arith.addi %scan3A_316, %scan3A_317 : i32
    %scan3A_319 = arith.constant 1 : i32
    %scan3A_320 = scf.for %scan3A_329 = %scan3A_316 to %scan3A_318 step %scan3A_319 iter_args(%scan3A_330 = %scan3A_315) -> (i32)  : i32 {
      %mul3A_331 = arith.constant 16 : i32
      %mul3A_332 = arith.muli %scan3A_329, %mul3A_331 : i32
      %add3A_333 = arith.addi %mul3A_332, %arg1 : i32
      %lt3A = arith.constant 125 : i32
      %lt3A_334 = arith.cmpi slt, %add3A_333, %lt3A : i32
      %convert_element_type3A = arith.extui %lt3A_334 : i1 to i32
      %cond3A = arith.constant 0 : i32
      %cond3A_335 = arith.cmpi ne, %convert_element_type3A, %cond3A : i32
      scf.if %cond3A_335 {
        %mul3A_337 = arith.constant 80 : i32
        %mul3A_338 = arith.muli %add3A_333, %mul3A_337 : i32
        %dma_start3A_339 = tpu.memref_slice %arg4[%mul3A_338, %multiple_of3A] : memref<10000x256xf32, #tpu.memory_space<hbm>> -> memref<80x128xf32, #tpu.memory_space<hbm>>
        %dma_start3A_340 = arith.constant 0 : i32
        %dma_start3A_341 = tpu.memref_slice %arg5[%mul3A_338, %dma_start3A_340] : memref<10008x128xf32, #tpu.memory_space<vmem_shared>> -> memref<80x128xf32, #tpu.memory_space<vmem_shared>>
        tpu.enqueue_dma source(%dma_start3A_341 : memref<80x128xf32, #tpu.memory_space<vmem_shared>>) target(%dma_start3A_339 : memref<80x128xf32, #tpu.memory_space<hbm>>) target_semaphore(%arg34 : memref<!tpu.dma_semaphore, #tpu.memory_space<semaphore_mem>>)
      } else {
      }
      %scan3A_336 = arith.constant 0 : i32
      scf.yield %scan3A_336 : i32
    }
    %scan3A_321 = arith.constant 8 : i32
    %scan3A_322 = arith.constant 0 : i32
    %scan3A_323 = arith.constant 0 : i32
    %scan3A_324 = arith.constant 8 : i32
    %scan3A_325 = arith.addi %scan3A_323, %scan3A_324 : i32
    %scan3A_326 = arith.constant 1 : i32
    %scan3A_327 = scf.for %scan3A_329 = %scan3A_323 to %scan3A_325 step %scan3A_326 iter_args(%scan3A_330 = %scan3A_322) -> (i32)  : i32 {
      %mul3A_331 = arith.constant 16 : i32
      %mul3A_332 = arith.muli %scan3A_329, %mul3A_331 : i32
      %add3A_333 = arith.addi %mul3A_332, %arg1 : i32
      %lt3A = arith.constant 125 : i32
      %lt3A_334 = arith.cmpi slt, %add3A_333, %lt3A : i32
      %convert_element_type3A = arith.extui %lt3A_334 : i1 to i32
      %cond3A = arith.constant 0 : i32
      %cond3A_335 = arith.cmpi ne, %convert_element_type3A, %cond3A : i32
      scf.if %cond3A_335 {
        %dma_wait3A_337 = arith.constant 0 : i32
        %dma_wait3A_338 = tpu.memref_slice %arg4[%dma_wait3A_337, %multiple_of3A] : memref<10000x256xf32, #tpu.memory_space<hbm>> -> memref<80x128xf32, #tpu.memory_space<hbm>>
        %dma_wait3A_339 = arith.constant 0 : i32
        %dma_wait3A_340 = arith.constant 0 : i32
        %dma_wait3A_341 = tpu.memref_slice %arg5[%dma_wait3A_339, %dma_wait3A_340] : memref<10008x128xf32, #tpu.memory_space<vmem_shared>> -> memref<80x128xf32, #tpu.memory_space<vmem_shared>>
        tpu.wait_dma2 semaphore(%arg34 : memref<!tpu.dma_semaphore, #tpu.memory_space<semaphore_mem>>) src(%dma_wait3A_341 : memref<80x128xf32, #tpu.memory_space<vmem_shared>>) dst(%dma_wait3A_338 : memref<80x128xf32, #tpu.memory_space<hbm>>)
      } else {
      }
      %scan3A_336 = arith.constant 0 : i32
      scf.yield %scan3A_336 : i32
    }
    %scan3A_328 = arith.constant 8 : i32
    return
  }
}

</mosaic_0001>

<sc_bundles>
// kernel: kernel.3.cloned.1.call-start
scs
__scs_entry_jumppad:
0x0: {  	(pc) =	sbr.rel $0x88, $3  }
0x1: {  	(tag) =	ssettag $0x0;
	lr =	simm.s32 $0x1  }
0x2: {  	[smem:$0x3F9E] =	sst lr;
	_ =	strace $0xD0000000  }
0x3: {  	_ = 	snop  }
0x4: {  	_ = 	snop  }
0x5: {  	_ = 	snop  }
0x6: {  	_ = 	snop  }
0x7: {  	_ = 	snop  }
__scs_overlays_trampoline_lowered:
0x8: {  	[smem:$0x3FAD] =	sst s0  }
0x9: {  	[smem:$0x3FAE] =	sst s1  }
0xa: {  	[smem:$0x3FAF] =	sst s2  }
0xb: {  	[smem:$0x3FB0] =	sst s3  }
0xc: {  	[smem:$0x3FB1] =	sst s4  }
0xd: {  	[smem:$0x3FB2] =	sst s5  }
0xe: {  	[smem:$0x3FB3] =	sst s6  }
0xf: {  	[smem:$0x3FB4] =	sst s7  }
0x10: {  	[smem:$0x3FB5] =	sst s8  }
0x11: {  	[smem:$0x3FB6] =	sst s9;
	s0 =	simm.s32 @!p0 $0x0  }
0x12: {  	s1 =	sld [smem:$0x3F9C];
	s0 =	simm.s32 @p0 $0x1  }
0x13: {  	[smem:$0x3FB7] =	sst s0;
	s0 =	simm.s32 @!p1 $0x0  }
0x14: {  	s2 =	sld [smem:$0x3F9B];
	s0 =	simm.s32 @p1 $0x1  }
0x15: {  	[smem:$0x3FB8] =	sst s0;
	s0 =	simm.s32 @!p2 $0x0  }
0x16: {  	s3 =	sld [smem:$0x3FDB];
	s0 =	simm.s32 @p2 $0x1  }
0x17: {  	s4 =	simm.s32 $0x1BF5;
	[smem:$0x3FBA] =	sst s0  }
0x18: {  	s0 =	sld [smem:$0x3F9D];
	_ =	swait.ge [sflag:s4], $0x0  }
0x19: {  	s7 =	sld [smem:$0x3F9E]  }
0x1a: {  	s8 =	sadd.s32 $0xFFFFE003, lr  }
0x1b: {  	s9 =	sadd.s32 $0xFFFFFEF7, lr;
	s5 =	simm.s32 $0xFFFFFFFF;
	p2 =	slt.u32 s8, $0xFFFFF086  }
0x1c: {  	p1 =	slt.u32 s9, $0xF7A;
	s5 =	simm.s32 @!p2 $0x0  }
0x1d: {  	s5 =	simm.s32 @p1 $0x1;
	p0 =	seq.s32 s7, s2  }
0x1e: {  	s7 =	smul.u32 @!p0 $0xF7A, s2;
	p2 =	seq.s32 @!p0 s5, $0x0  }
0x1f: {  	s9 =	smul.u32 $0xF7A, s1;
	s8 =	simm.s32 @!p0 $0x1BF5;
	p2 =	por !p2, p0  }
0x20: {  	[sflag:s8] =	ssyncset.s32 @!p0 $0xFFFFF086;
	s6 =	sadd.s32 @!p0 s3, s7;
	s7 =	simm.s32 @!p0 $0x108  }
0x21: {  	s3 =	sadd.s32 s3, s9;
	s6 =	sadd.s32 @!p0 $0x88, s6;
	s7 =	simm.s32 @p2 $0x1082  }
0x22: {  	[simem:s7], [sflag:s8] =	dma.local @!p0 [hbm:s6], $0xF7A  }
0x23: {  	s9 =	sor.u32 $0xD0000000, s2;
	s6 =	simm.s32 $0x108;
	_ =	swait.ge @!p0 [sflag:s8], $0x0  }
0x24: {  	s3 =	sadd.s32 $0x88, s3;
	s6 =	simm.s32 @!p1 $0x1082;
	[sflag:s4] =	ssyncset.s32 $0xFFFFF086  }
0x25: {  	[simem:s6], [sflag:s4] =	dma.local [hbm:s3], $0xF7A  }
0x26: {  	[smem:$0x3F9E] =	sst s1;
	(tag) =	ssettag s2;
	_ =	strace s9  }
0x27: {  	s1 =	sld [smem:$0x3FAE]  }
0x28: {  	s2 =	sld [smem:$0x3FAF]  }
0x29: {  	s4 =	sld [smem:$0x3FB1]  }
0x2a: {  	p0 =	seq.s32 s5, $0x0;
	s5 =	sld [smem:$0x3FB2]  }
0x2b: {  	s6 =	sld [smem:$0x3FB3]  }
0x2c: {  	s7 =	sld [smem:$0x3FB4]  }
0x2d: {  	s3 =	simm.s32 $0x108;
	s8 =	sld [smem:$0x3FB5]  }
0x2e: {  	s3 =	simm.s32 @!p0 $0x1082;
	s9 =	sld [smem:$0x3FB6]  }
0x2f: {  	lr =	sadd.s32 s0, s3;
	s0 =	sld [smem:$0x3FAD]  }
0x30: {  	s3 =	sld [smem:$0x3FB0]  }
0x31: {  	[smem:$0x3FB9] =	sst s10  }
0x32: {  	s10 =	sld [smem:$0x3FB7];
	_ =	sdelay $0x3  }
0x33: {  	p0 =	seq.s32 s10, $0x1;
	s10 =	sld [smem:$0x3FB9];
	_ =	sdelay $0x3  }
0x34: {  	[smem:$0x3FB9] =	sst s10  }
0x35: {  	s10 =	sld [smem:$0x3FB8];
	_ =	sdelay $0x3  }
0x36: {  	p1 =	seq.s32 s10, $0x1;
	s10 =	sld [smem:$0x3FB9];
	_ =	sdelay $0x3  }
0x37: {  	[smem:$0x3FB9] =	sst s10  }
0x38: {  	s10 =	sld [smem:$0x3FBA]  }
0x39: {  	_ = 	snop;
	(pc) =	sbr.ind lr, $3  }
0x3a: {  	_ = 	snop  }
0x3b: {  	_ = 	snop  }
0x3c: {  	p2 =	seq.s32 s10, $0x1;
	s10 =	sld [smem:$0x3FB9]  }
0x3d: {  	_ =	shalt  }
0x3e: {  	_ =	shalt  }
0x3f: {  	_ =	shalt  }
0x40: {  	_ =	shalt  }
0x41: {  	_ =	shalt  }
0x42: {  	_ =	shalt  }
0x43: {  	_ =	shalt  }
0x44: {  	_ =	shalt  }
0x45: {  	_ =	shalt  }
0x46: {  	_ =	shalt  }
0x47: {  	_ =	shalt  }
0x48: {  	_ =	shalt  }
0x49: {  	_ =	shalt  }
0x4a: {  	_ =	shalt  }
0x4b: {  	_ =	shalt  }
0x4c: {  	_ =	shalt  }
0x4d: {  	_ =	shalt  }
0x4e: {  	_ =	shalt  }
0x4f: {  	_ =	shalt  }
0x50: {  	_ =	shalt  }
0x51: {  	_ =	shalt  }
0x52: {  	_ =	shalt  }
0x53: {  	_ =	shalt  }
0x54: {  	_ =	shalt  }
0x55: {  	_ =	shalt  }
0x56: {  	_ =	shalt  }
0x57: {  	_ =	shalt  }
0x58: {  	_ =	shalt  }
0x59: {  	_ =	shalt  }
0x5a: {  	_ =	shalt  }
0x5b: {  	_ =	shalt  }
0x5c: {  	_ =	shalt  }
0x5d: {  	_ =	shalt  }
0x5e: {  	_ =	shalt  }
0x5f: {  	_ =	shalt  }
0x60: {  	_ =	shalt  }
0x61: {  	_ =	shalt  }
0x62: {  	_ =	shalt  }
0x63: {  	_ =	shalt  }
0x64: {  	_ =	shalt  }
0x65: {  	_ =	shalt  }
0x66: {  	_ =	shalt  }
0x67: {  	_ =	shalt  }
0x68: {  	_ =	shalt  }
0x69: {  	_ =	shalt  }
0x6a: {  	_ =	shalt  }
0x6b: {  	_ =	shalt  }
0x6c: {  	_ =	shalt  }
0x6d: {  	_ =	shalt  }
0x6e: {  	_ =	shalt  }
0x6f: {  	_ =	shalt  }
0x70: {  	_ =	shalt  }
0x71: {  	_ =	shalt  }
0x72: {  	_ =	shalt  }
0x73: {  	_ =	shalt  }
0x74: {  	_ =	shalt  }
0x75: {  	_ =	shalt  }
0x76: {  	_ =	shalt  }
0x77: {  	_ =	shalt  }
0x78: {  	_ =	shalt  }
0x79: {  	_ =	shalt  }
0x7a: {  	_ =	shalt  }
0x7b: {  	_ =	shalt  }
0x7c: {  	_ =	shalt  }
0x7d: {  	_ =	shalt  }
0x7e: {  	_ =	shalt  }
0x7f: {  	_ =	shalt  }
0x80: {  	_ =	shalt  }
0x81: {  	_ =	shalt  }
0x82: {  	_ =	shalt  }
0x83: {  	_ =	shalt  }
0x84: {  	_ =	shalt  }
0x85: {  	_ =	shalt  }
0x86: {  	_ =	shalt  }
0x87: {  	_ =	shalt  }
.Lfunc_end0:
.L_simem_size_0:
called_computation_lowered:
.L_overlay_start_0:
0x88: {  	s2 =	sld [smem:$0x3FD9]  }
0x89: {  	s3 =	sld [smem:$0x3FFE];
	_ =	sdelay $0x1  }
0x8a: {  	s1 =	srdreg.scid  }
0x8b: {  	s0 =	sand.u32 $0x1, s1  }
0x8c: {  	s17 =	sshll.u32 s0, $0xA;
	s2 =	sadd.s32 s3, s2  }
0x8d: {  	s2 =	sadd.s32 s2, s17  }
0x8e: {  	[smem:$0x3FC5] =	sst s2  }
0x8f: {  	_ = 	snop  }
0x90: {  	s2 =	sld [smem:$0x3FC9]  }
0x91: {  	s18 =	sld [smem:$0x3FD0];
	(tm) =	ssettm $0x1  }
0x92: {  	s4 =	sld [smem:$0x3FFB];
	_ =	sdelay $0x3  }
0x93: {  	_ =	strace s4  }
0x94: {  	s4 =	sld [smem:$0x3FFC];
	_ =	sdelay $0x3  }
0x95: {  	_ =	strace s4  }
0x96: {  	s4 =	sld [smem:$0x3FFD];
	_ =	sdelay $0x3  }
0x97: {  	_ =	strace s4  }
0x98: {  	_ =	strace $0x8FFFFFFF  }
0x99: {  	s19 =	sld [smem:$0x3FDB];
	_ =	sdelay $0x1  }
0x9a: {  	s5 =	simm.s32 $_scs_section_size  }
0x9b: {  	s6 =	simm.s32 $_size__tile_overlayer_lowered;
	s7 =	simm.s32 $_tile_overlayer_lowered  }
0x9c: {  	s22 =	simm.s32 $0x1BFF;
	s21 =	sshll.u32 s7, $0x1;
	s4 =	sadd.s32 s5, s19  }
0x9d: {  	s8 =	simm.s32 $0x0;
	s20 =	sshll.u32 s6, $0x1;
	s6 =	sadd.s32 s21, s4  }
0x9e: {  	[timem:s8], [sflag:s22] =	dma.local [hbm:s6], s20  }
0x9f: {  	_ =	swait.ge [sflag:s22], s20  }
0xa0: {  	s5 =	ssub.s32 $0x0, s20;
	[sflag:s22] =	ssyncset.done $0x0  }
0xa1: {  	[sflag:s22] =	ssyncadd.s32 s5;
	_ =	sdelay $0x1  }
0xa2: {  	s23 =	simm.s32 $0x1B8B  }
0xa3: {  	_ =	swait.ge [sflag:s23], $0x1  }
0xa4: {  	[sflag:s23] =	ssyncset.done $0x0  }
0xa5: {  	s25 =	simm.s32 $0x1B8E;
	s24 =	sld [smem:$0x3FFE];
	[sflag:s23] =	ssyncadd.s32 $0xFFFFFFFF  }
0xa6: {  	s26 =	simm.s32 $execute0_lowered;
	[smem:$0x3FD2] =	sst s25  }
0xa7: {  	s6 =	sshll.u32 s26, $0x1;
	_ =	strace $0x80000046;
	[dreg:$0x1] =	wrdreg $0xFFFFFFFF  }
0xa8: {  	s28 =	simm.s32 $_size_execute0_lowered;
	s4 =	sadd.s32 s4, s6;
	[dreg:$0x0] =	wrdreg $0x0  }
0xa9: {  	s6 =	sshll.u32 s28, $0x1;
	[dreg:$0x2] =	wrdreg s4  }
0xaa: {  	[dreg:$0x3] =	wrdreg s6  }
0xab: {  	[dreg:$0x4] =	wrdreg $0xC0  }
0xac: {  	_ =	task [dreg:s8], $0x5FFFF  }
0xad: {  	[dreg:$0x1] =	wrdreg $0xFFFFFFFF  }
0xae: {  	[dreg:$0x0] =	wrdreg $0x60  }
0xaf: {  	[dreg:$0x2] =	wrdreg s2  }
0xb0: {  	[dreg:$0x3] =	wrdreg s24  }
0xb1: {  	[dreg:$0x4] =	wrdreg s18  }
0xb2: {  	[dreg:$0x5] =	wrdreg $0x0  }
0xb3: {  	[dreg:$0x6] =	wrdreg $0x9  }
0xb4: {  	_ =	task.clear_ibuf [dreg:s8], $0x7FFFF;
	_ =	strace $0x90000046  }
0xb5: {  	s29 =	simm.s32 $0x9;
	_ =	strace $0x80000048  }
0xb6: {  	_ =	swait.ge [sflag:s29], $0x1  }
0xb7: {  	[sflag:s29] =	ssyncadd.s32 $0xFFFFFFFF  }
0xb8: {  	_ =	strace $0x90000048  }
0xb9: {  	_ =	sfence  }
0xba: {  	s30 =	sld [smem:$0x0];
	_ =	sdelay $0x2  }
0xbb: {  	s31 =	sshll.u32 s1, $0xD;
	s1 =	sshrl.u32 s1, $0x2  }
0xbc: {  	s3 =	sand.u32 $0x4000, s31;
	s1 =	sadd.s32 s1, s30  }
0xbd: {  	s0 =	sor.u32 s3, s0;
	s1 =	sshll.u32 s1, $0x11  }
0xbe: {  	s0 =	sor.u32 s1, s0  }
0xbf: {  	s0 =	sadd.s32 $0x8F2B, s0  }
0xc0: {  	[sflag:s0] =	ssyncadd.remote.s32 $0x1  }
0xc1: {  	_ =	sfence.sel $0xFFFF  }
0xc2: {  	[dreg:$0x0] =	wrdreg $0xFFFFFFFF;
	(pc) =	sbr.abs _section_cstart, $3  }
0xc3: {  	[dreg:$0x1] =	wrdreg $0xFFFFFFFF  }
0xc4: {  	_ =	task.clear_ibuf [dreg:s8], $0x2FFFF;
	_ =	strace $0x9FFFFFFF  }
0xc5: {  	(tm) =	ssettm $0x7FFFFFFF  }
tec
execute0_lowered:
.L_overlay_start_1:
0x0: {  	(tag) =	ssettag $0x1  }
0x1: {  	s23 =	stileid.u32  }
0x2: {  	s1 =	rddreg [dreg:$0x0];
	s22 =	smul.u32 $0x4E20, s23  }
0x3: {  	s0 =	srdreg.scid;
	s7 =	smul.u32 $0xA000, s23  }
0x4: {  	s24 =	rddreg [dreg:$0x1];
	s3 =	sand.u32 $0x1, s0;
	s11 =	smul.u32 $0x5000, s23  }
0x5: {  	s2 =	rddreg [dreg:$0x2];
	s8 =	sor.u32 $0x10, s23;
	s6 =	smul.u32 $0x9C400, s3  }
0x6: {  	s4 =	rddreg [dreg:$0x3];
	s9 =	smul.u32 $0xA000, s8  }
0x7: {  	s5 =	simm.s32 $0x0;
	s13 =	sor.u32 $0x20, s23;
	s8 =	smul.u32 $0x5000, s8  }
0x8: {  	s29 =	simm.s32 $0x4;
	s25 =	sor.u32 $0x30, s23;
	s14 =	smul.u32 $0x5000, s13  }
0x9: {  	s31 =	simm.s32 $0x9;
	s26 =	sor.u32 $0x40, s23;
	s15 =	smul.u32 $0x5000, s25  }
0xa: {  	[smem:$0x7FF] =	sst s5;
	s16 =	sor.u32 $0x50, s23;
	s17 =	smul.u32 $0x5000, s26  }
0xb: {  	s18 =	sor.u32 $0x60, s23;
	s19 =	sor.u32 $0x70, s23;
	s20 =	smul.u32 $0x5000, s16  }
0xc: {  	p1 =	sgt.u32 s23, $0xC;
	_ =	strace $0x80000047;
	s21 =	smul.u32 $0x5000, s18  }
0xd: {  	s10 =	ssub.s32 $0x2, s3;
	s3 =	sshll.u32 s3, $0xA;
	s13 =	smul.u32 $0xA000, s13  }
0xe: {  	s30 =	smul.u32 $0xA000, s25;
	p0 =	sgt.u32 s19, $0x7C;
	s12 =	sshrl.u32 s10, $0x1  }
0xf: {  	s11 =	sor.u32 s3, s11;
	s7 =	sshrl.u32 s7, $0x2;
	s10 =	ssub.s32 s10, s12  }
0x10: {  	s0 =	sadd.s32 s22, s6;
	s8 =	sor.u32 s3, s8;
	s14 =	sor.u32 s3, s14  }
0x11: {  	s15 =	sor.u32 s3, s15;
	s22 =	smul.u32 $0x5000, s19;
	s17 =	sor.u32 s3, s17  }
0x12: {  	s20 =	sor.u32 s3, s20;
	s21 =	sor.u32 s3, s21;
	s9 =	sshrl.u32 s9, $0x2  }
0x13: {  	s6 =	smul.u32 $0xA000, s26;
	s7 =	sadd.s32 s7, s4;
	s25 =	sshrl.u32 s13, $0x2  }
0x14: {  	s26 =	sshrl.u32 s30, $0x2;
	s30 =	smul.u32 $0xA000, s18;
	s11 =	sshrl.u32 s11, $0x3  }
0x15: {  	s28 =	sshrl.u32 s0, $0x3;
	s10 =	smax.u32 s10, $0x1;
	[dreg:$0x7] =	wrdreg s7  }
0x16: {  	s12 =	sadd.s32 s9, s4;
	s8 =	sshrl.u32 s8, $0x3;
	s11 =	sadd.s32 s2, s11  }
0x17: {  	s13 =	sshrl.u32 s14, $0x3;
	s14 =	sshrl.u32 s15, $0x3;
	s15 =	sshrl.u32 s17, $0x3  }
0x18: {  	s17 =	sshrl.u32 s20, $0x3;
	s18 =	sshrl.u32 s21, $0x3;
	s20 =	smul.u32 $0xA000, s19  }
0x19: {  	s21 =	sadd.s32 s25, s4;
	s25 =	sadd.s32 s26, s4;
	[dreg:$0x6] =	wrdreg s10  }
0x1a: {  	s9 =	sadd.s32 $0x4E6B0, s0;
	s19 =	sadd.s32 $0x4E570, s0;
	[dreg:$0x8] =	wrdreg s12  }
0x1b: {  	s3 =	sor.u32 s3, s22;
	s22 =	sadd.s32 s24, s28;
	[dreg:$0x9] =	wrdreg s11  }
0x1c: {  	s6 =	sshrl.u32 s6, $0x2;
	s28 =	smul.u32 $0xA000, s16;
	[dreg:$0x11] =	wrdreg s21  }
0x1d: {  	s8 =	sadd.s32 s2, s8;
	s16 =	sadd.s32 s2, s15;
	[dreg:$0x12] =	wrdreg s25  }
0x1e: {  	s30 =	sshrl.u32 s30, $0x2;
	s10 =	sadd.s32 $0x460, s0;
	[dreg:$0xa] =	wrdreg s8  }
0x1f: {  	s15 =	sadd.s32 $0x4E610, s0;
	s8 =	sadd.s32 s2, s13;
	[dreg:$0xd] =	wrdreg s16  }
0x20: {  	s3 =	sshrl.u32 s3, $0x3;
	s26 =	sadd.s32 s6, s4;
	s7 =	sadd.s32 s30, s4  }
0x21: {  	s12 =	sshrl.u32 s10, $0x3;
	s13 =	sadd.s32 $0x4E660, s0;
	[dreg:$0x5] =	wrdreg s22  }
0x22: {  	s30 =	sadd.s32 $0x4E5C0, s0;
	s23 =	sadd.s32 $0x32, s22;
	[dreg:$0xb] =	wrdreg s8  }
0x23: {  	s8 =	sadd.s32 s2, s14;
	[dreg:$0x13] =	wrdreg s26;
	s28 =	sshrl.u32 s28, $0x2  }
0x24: {  	[dreg:$0x15] =	wrdreg s7;
	s14 =	sadd.s32 $0x410, s0;
	s26 =	sadd.s32 $0x4E520, s0  }
0x25: {  	s6 =	sshrl.u32 s30, $0x3;
	s7 =	sadd.s32 $0x2D0, s0;
	[smem:$0x7F8] =	sst s23  }
0x26: {  	s30 =	sadd.s32 $0x9C86, s22;
	s23 =	simm.s32 $0x10;
	[dreg:$0xc] =	wrdreg s8  }
0x27: {  	s8 =	sadd.s32 s2, s17;
	s17 =	sshrl.u32 s15, $0x3;
	[smem:$0x7FD] =	sst s30  }
0x28: {  	[dreg:$0xe] =	wrdreg s8;
	s8 =	sadd.s32 s2, s18;
	s2 =	sadd.s32 s2, s3  }
0x29: {  	s3 =	sadd.s32 s28, s4;
	s18 =	sadd.s32 $0x370, s0;
	[dreg:$0xf] =	wrdreg s8  }
0x2a: {  	s28 =	sadd.s32 $0x3C0, s0;
	[dreg:$0x10] =	wrdreg s2;
	s2 =	sshrl.u32 s20, $0x2  }
0x2b: {  	[dreg:$0x14] =	wrdreg s3;
	s8 =	sadd.s32 $0x4B0, s0;
	s3 =	sshrl.u32 s9, $0x3  }
0x2c: {  	s20 =	sadd.s32 $0x320, s0;
	s9 =	sadd.s32 $0x4E480, s0;
	s2 =	sadd.s32 s2, s4  }
0x2d: {  	s11 =	sadd.s32 s3, s24;
	s3 =	sshrl.u32 s14, $0x3;
	[dreg:$0x16] =	wrdreg s2  }
0x2e: {  	s25 =	sshrl.u32 s20, $0x3;
	s14 =	sadd.s32 $0x9C4A, s22;
	[dreg:$0x18] =	wrdreg s11  }
0x2f: {  	s20 =	sadd.s32 $0x28, s22;
	s2 =	sshrl.u32 s8, $0x3;
	[smem:$0x7F1] =	sst s14  }
0x30: {  	s16 =	sadd.s32 s3, s24;
	s3 =	sshrl.u32 s19, $0x3;
	[smem:$0x7F6] =	sst s20  }
0x31: {  	s8 =	sadd.s32 $0x4E4D0, s0;
	s0 =	sadd.s32 $0x280, s0;
	[dreg:$0x1b] =	wrdreg s16  }
0x32: {  	s11 =	sshrl.u32 s9, $0x3;
	s19 =	sadd.s32 $0x9C5E, s22;
	[smem:$0x7EE] =	sst s0  }
0x33: {  	s14 =	simm.s32 $0x13940;
	s2 =	sadd.s32 s2, s24;
	[smem:$0x7F5] =	sst s19  }
0x34: {  	s9 =	simm.s32 $0x1;
	s21 =	sadd.s32 s3, s24;
	[dreg:$0x17] =	wrdreg s2  }
0x35: {  	s3 =	sshrl.u32 s28, $0x3;
	s16 =	sadd.s32 $0x14, s22;
	[dreg:$0x1e] =	wrdreg s21  }
0x36: {  	s15 =	sadd.s32 s11, s24;
	s28 =	sadd.s32 $0x46, s22;
	[smem:$0x7F2] =	sst s16  }
0x37: {  	s0 =	simm.s32 $0xD;
	s2 =	sadd.s32 s12, s24;
	[smem:$0x7FC] =	sst s28  }
0x38: {  	s11 =	simm.s32 $0x6;
	s3 =	sadd.s32 s3, s24;
	[dreg:$0x19] =	wrdreg s2  }
0x39: {  	s19 =	simm.s32 $0xF;
	s12 =	sadd.s32 $0x9C40, s22;
	[smem:$0x7EA] =	sst s3  }
0x3a: {  	s21 =	sadd.s32 $0x9C68, s22;
	s16 =	simm.s32 $0x139C0;
	[smem:$0x7EF] =	sst s12  }
0x3b: {  	s2 =	sshrl.u32 s13, $0x3;
	s13 =	sadd.s32 $0xA, s22;
	[smem:$0x7F7] =	sst s21  }
0x3c: {  	s3 =	sshrl.u32 s8, $0x3;
	s2 =	sadd.s32 s2, s24;
	[smem:$0x7F0] =	sst s13  }
0x3d: {  	s21 =	simm.s32 $0x140C0;
	s10 =	sadd.s32 s3, s24;
	[dreg:$0x1a] =	wrdreg s2  }
0x3e: {  	s13 =	simm.s32 $0x1B8C0;
	s2 =	sadd.s32 s17, s24;
	[smem:$0x7ED] =	sst s10  }
0x3f: {  	s3 =	simm.s32 $0xA;
	s17 =	sadd.s32 $0x9C54, s22;
	[dreg:$0x1c] =	wrdreg s2  }
0x40: {  	s2 =	sshrl.u32 s18, $0x3;
	[smem:$0x7F3] =	sst s17;
	s18 =	sadd.s32 $0x1E, s22  }
0x41: {  	s10 =	simm.s32 $0x8;
	s2 =	sadd.s32 s2, s24;
	[smem:$0x7F4] =	sst s18  }
0x42: {  	s17 =	simm.s32 $0x138C0;
	[dreg:$0x1d] =	wrdreg s2;
	s2 =	sadd.s32 s25, s24  }
0x43: {  	s18 =	simm.s32 $0x0;
	s25 =	sadd.s32 $0x3C, s22;
	[dreg:$0x1f] =	wrdreg s2  }
0x44: {  	s2 =	sshrl.u32 s26, $0x3;
	[smem:$0x7FA] =	sst s25;
	s26 =	sadd.s32 $0x9C7C, s22  }
0x45: {  	s25 =	simm.s32 $0x168C0;
	s2 =	sadd.s32 s2, s24;
	[smem:$0x7FB] =	sst s26  }
.Ltmp0:
0x46: {  	[smem:$0x7E9] =	sst s2;
	s2 =	sadd.s32 s6, s24;
	(pc) =	sbr.rel .LBB2_1-.Ltmp0, $4  }
0x47: {  	s26 =	simm.s32 $0x3;
	[smem:$0x7EB] =	sst s2;
	s2 =	sshrl.u32 s7, $0x3  }
0x48: {  	s6 =	simm.s32 $0x13A40;
	s7 =	simm.s32 $0xE;
	s2 =	sadd.s32 s2, s24  }
0x49: {  	s24 =	sadd.s32 $0x9C72, s22;
	s22 =	simm.s32 $0x11;
	[smem:$0x7EC] =	sst s2  }
0x4a: {  	v0 =	vimm.f32 $0.0e+00;
	[smem:$0x7F9] =	sst s24;
	s2 =	simm.s32 $0x50;
	s24 =	simm.s32 $0x2  }
.LBB2_17:
0x4b: {  	_ =	swait.ge [sflag:s7], $0x2800  }
0x4c: {  	[sflag:s7] =	ssyncset.done $0x0  }
0x4d: {  	[sflag:s7] =	ssyncadd.s32 $0xFFFFD800  }
0x4e: {  	s8 =	stileid.u32;
	s20 =	simm.s32 $0x100;
	[bflag:$0x0] =	sbarrier.arrive $0xFFFF  }
0x4f: {  	s22 =	simm.s32 $0x80;
	s8 =	sshll.u32 s8, $0x6;
	s12 =	rddreg [dreg:$0x7]  }
0x50: {  	s8 =	sor.u32 $0x1C11, s8;
	s18 =	rddreg [dreg:$0x9];
	s12 =	sshrl.u32 s12, $0x3  }
0x51: {  	[hbm:s18@s20], [sflag:s8] =	dma.strided [spmem:s12@s22], $0x500, s10, $0x10   }
0x52: {  	s12 =	rddreg [dreg:$0x8]  }
0x53: {  	s18 =	rddreg [dreg:$0xa];
	s12 =	sshrl.u32 s12, $0x3  }
0x54: {  	[hbm:s18@s20], [sflag:s8] =	dma.strided [spmem:s12@s22], $0x500, s10, $0x10   }
0x55: {  	s12 =	rddreg [dreg:$0x11]  }
0x56: {  	s18 =	rddreg [dreg:$0xb];
	s12 =	sshrl.u32 s12, $0x3  }
0x57: {  	[hbm:s18@s20], [sflag:s8] =	dma.strided [spmem:s12@s22], $0x500, s10, $0x10   }
0x58: {  	s12 =	rddreg [dreg:$0x12]  }
0x59: {  	s18 =	rddreg [dreg:$0xc];
	s12 =	sshrl.u32 s12, $0x3  }
0x5a: {  	[hbm:s18@s20], [sflag:s8] =	dma.strided [spmem:s12@s22], $0x500, s10, $0x10   }
0x5b: {  	s12 =	rddreg [dreg:$0x13]  }
0x5c: {  	s18 =	rddreg [dreg:$0xd];
	s12 =	sshrl.u32 s12, $0x3  }
0x5d: {  	[hbm:s18@s20], [sflag:s8] =	dma.strided [spmem:s12@s22], $0x500, s10, $0x10   }
0x5e: {  	s12 =	rddreg [dreg:$0x14]  }
0x5f: {  	s18 =	rddreg [dreg:$0xe];
	s12 =	sshrl.u32 s12, $0x3  }
0x60: {  	[hbm:s18@s20], [sflag:s8] =	dma.strided [spmem:s12@s22], $0x500, s10, $0x10   }
0x61: {  	s12 =	rddreg [dreg:$0x15]  }
0x62: {  	s18 =	rddreg [dreg:$0xf];
	s12 =	sshrl.u32 s12, $0x3  }
0x63: {  	[hbm:s18@s20], [sflag:s8] =	dma.strided [spmem:s12@s22], $0x500, s10, $0x10   }
0x64: {  	s18 =	simm.s32 @!p0 $0x8;
	s20 =	simm.s32 @!p0 $0x100;
	s12 =	rddreg [dreg:$0x16]  }
0x65: {  	s22 =	simm.s32 @!p0 $0x80;
	s28 =	rddreg [dreg:$0x10];
	s12 =	sshrl.u32 @!p0 s12, $0x3  }
0x66: {  	[hbm:s28@s20], [sflag:s8] =	dma.strided @!p0 [spmem:s12@s22], $0x500, s18, $0x10   }
0x67: {  	s22 =	simm.s32 $0x11  }
0x68: {  	_ =	swait.ge [sflag:s22], $0x500  }
0x69: {  	[sflag:s22] =	ssyncset.done $0x0  }
0x6a: {  	[sflag:s22] =	ssyncadd.s32 $0xFFFFFB00  }
0x6b: {  	_ =	swait.ge [sflag:s22], $0x500  }
0x6c: {  	[sflag:s22] =	ssyncset.done $0x0  }
0x6d: {  	[sflag:s22] =	ssyncadd.s32 $0xFFFFFB00  }
0x6e: {  	_ =	swait.ge [sflag:s22], $0x500  }
0x6f: {  	[sflag:s22] =	ssyncset.done $0x0  }
0x70: {  	[sflag:s22] =	ssyncadd.s32 $0xFFFFFB00  }
0x71: {  	_ =	swait.ge [sflag:s22], $0x500  }
0x72: {  	[sflag:s22] =	ssyncset.done $0x0  }
0x73: {  	[sflag:s22] =	ssyncadd.s32 $0xFFFFFB00  }
0x74: {  	_ =	swait.ge [sflag:s22], $0x500  }
0x75: {  	[sflag:s22] =	ssyncset.done $0x0  }
0x76: {  	[sflag:s22] =	ssyncadd.s32 $0xFFFFFB00  }
0x77: {  	_ =	swait.ge [sflag:s22], $0x500  }
0x78: {  	[sflag:s22] =	ssyncset.done $0x0  }
0x79: {  	[sflag:s22] =	ssyncadd.s32 $0xFFFFFB00  }
0x7a: {  	_ =	swait.ge [sflag:s22], $0x500  }
0x7b: {  	[sflag:s22] =	ssyncset.done $0x0  }
0x7c: {  	s8 =	simm.s32 @!p1 $0x11;
	[sflag:s22] =	ssyncadd.s32 $0xFFFFFB00  }
0x7d: {  	_ =	swait.ge @!p1 [sflag:s8], $0x500  }
0x7e: {  	s28 =	sld [smem:$0x7E8];
	_ =	sdelay $0x2  }
0x7f: {  	s30 =	rddreg [dreg:$0x6];
	s18 =	sadd.s32 $0x1, s28  }
0x80: {  	p2 =	sne.s32 s18, s30  }
.Ltmp1:
0x81: {  	_ = 	snop;
	(pc) =	sbr.rel @!p2 .LBB2_18-.Ltmp1, $3  }
0x82: {  	_ =	sdelay $0x1  }
0x83: {  	[sflag:s8] =	ssyncset.done @!p1 $0x0  }
0x84: {  	[sflag:s8] =	ssyncadd.s32 @!p1 $0xFFFFFB00  }
.LBB2_1:
0x85: {  	s8 =	sand.u32 $0xFE00, s5  }
0x86: {  	[smem:$0x7E8] =	sst s18;
	s30 =	sand.u32 $0x70, s5;
	s28 =	sshrl.u32 s8, $0x2  }
0x87: {  	s18 =	simm.s32 $0x0;
	s8 =	simm.s32 $0x40;
	s28 =	sor.u32 s30, s28  }
.LBB2_2:
0x88: {  	p2 =	sne.s32 s8, $0x9FC0  }
0x89: {  	[tilespmem:s28+$0x140C0] =	vst v0;
	s18 =	sadd.s32 $0x10, s18;
	s28 =	smov.u32 s8;
	s8 =	sadd.s32 $0x40, s8  }
.Ltmp2:
0x8a: {  	(pc) =	sbr.rel @p2 .LBB2_2-.Ltmp2, $4  }
0x8b: {  	_ = 	snop  }
0x8c: {  	s28 =	sand.u32 $0xFE00, s28  }
0x8d: {  	s30 =	sand.u32 $0x70, s18;
	s28 =	sshrl.u32 s28, $0x2  }
0x8e: {  	s28 =	sor.u32 s30, s28  }
0x8f: {  	s8 =	rddreg [dreg:$0x5]  }
0x90: {  	[tilespmem:s28+$0x140C0] =	vst v0;
	s18 =	sld [smem:$0x7EF]  }
0x91: {  	[tilespmem:s17], [sflag:$0x1] =	stream.linear.gather [hbm4b:s8+s5], $0x50, $0x38;
	[tilespmem:$0x1E0C0] =	vst v63  }
0x92: {  	s20 =	sld [smem:$0x7F0]  }
0x93: {  	[tilespmem:s14], [sflag:$0x1] =	stream.linear.gather [hbm4b:s18+s5], $0x50, $0x38;
	[tilespmem:$0x1E0C0] =	vst v63  }
0x94: {  	s30 =	sld [smem:$0x7F1]  }
0x95: {  	[tilespmem:s16], [sflag:$0x2] =	stream.linear.gather [hbm4b:s20+s5], $0x50, $0x38;
	[tilespmem:$0x1E0C0] =	vst v63  }
0x96: {  	s12 =	sld [smem:$0x7F2]  }
0x97: {  	[tilespmem:s6], [sflag:$0x2] =	stream.linear.gather [hbm4b:s30+s5], $0x50, $0x38;
	[tilespmem:$0x1E0C0] =	vst v63  }
0x98: {  	s18 =	simm.s32 $0x13AC0;
	s20 =	sld [smem:$0x7F3]  }
0x99: {  	[tilespmem:s18], [sflag:$0x3] =	stream.linear.gather [hbm4b:s12+s5], $0x50, $0x38;
	[tilespmem:$0x1E0C0] =	vst v63  }
0x9a: {  	s30 =	sld [smem:$0x7F4];
	s12 =	simm.s32 $0x13B40  }
0x9b: {  	[tilespmem:s12], [sflag:$0x3] =	stream.linear.gather [hbm4b:s20+s5], $0x50, $0x38;
	[tilespmem:$0x1E0C0] =	vst v63  }
0x9c: {  	s20 =	simm.s32 $0x13BC0;
	s12 =	sld [smem:$0x7F5]  }
0x9d: {  	[tilespmem:s20], [sflag:$0x4] =	stream.linear.gather [hbm4b:s30+s5], $0x50, $0x38;
	[tilespmem:$0x1E0C0] =	vst v63  }
0x9e: {  	s30 =	simm.s32 $0x13C40  }
0x9f: {  	[tilespmem:s30], [sflag:$0x4] =	stream.linear.gather [hbm4b:s12+s5], $0x50, $0x38;
	[tilespmem:$0x1E0C0] =	vst v63  }
0xa0: {  	s12 =	sld [smem:$0x7F6];
	_ =	sdelay $0x1  }
0xa1: {  	s30 =	simm.s32 $0x13CC0  }
0xa2: {  	[tilespmem:s30], [sflag:$0x5] =	stream.linear.gather [hbm4b:s12+s5], $0x50, $0x38;
	[tilespmem:$0x1E0C0] =	vst v63  }
0xa3: {  	s12 =	sld [smem:$0x7F7];
	_ =	sdelay $0x1  }
0xa4: {  	s30 =	simm.s32 $0x13D40  }
0xa5: {  	[tilespmem:s30], [sflag:$0x5] =	stream.linear.gather [hbm4b:s12+s5], $0x50, $0x38;
	[tilespmem:$0x1E0C0] =	vst v63  }
0xa6: {  	s12 =	sld [smem:$0x7F8];
	_ =	sdelay $0x1  }
0xa7: {  	s30 =	simm.s32 $0x13DC0  }
0xa8: {  	[tilespmem:s30], [sflag:$0x6] =	stream.linear.gather [hbm4b:s12+s5], $0x50, $0x38;
	[tilespmem:$0x1E0C0] =	vst v63  }
0xa9: {  	s12 =	sld [smem:$0x7F9];
	_ =	sdelay $0x1  }
0xaa: {  	s30 =	simm.s32 $0x13E40  }
0xab: {  	[tilespmem:s30], [sflag:$0x6] =	stream.linear.gather [hbm4b:s12+s5], $0x50, $0x38;
	[tilespmem:$0x1E0C0] =	vst v63  }
0xac: {  	s12 =	sld [smem:$0x7FA];
	_ =	sdelay $0x1  }
0xad: {  	s30 =	simm.s32 $0x13EC0  }
0xae: {  	[tilespmem:s30], [sflag:$0x7] =	stream.linear.gather [hbm4b:s12+s5], $0x50, $0x38;
	[tilespmem:$0x1E0C0] =	vst v63  }
0xaf: {  	s12 =	sld [smem:$0x7FB];
	_ =	sdelay $0x1  }
0xb0: {  	s30 =	simm.s32 $0x13F40  }
0xb1: {  	[tilespmem:s30], [sflag:$0x7] =	stream.linear.gather [hbm4b:s12+s5], $0x50, $0x38;
	[tilespmem:$0x1E0C0] =	vst v63  }
0xb2: {  	s12 =	sld [smem:$0x7FC];
	_ =	sdelay $0x1  }
0xb3: {  	s30 =	simm.s32 $0x13FC0  }
0xb4: {  	[tilespmem:s30], [sflag:$0x8] =	stream.linear.gather [hbm4b:s12+s5], $0x50, $0x38;
	[tilespmem:$0x1E0C0] =	vst v63  }
0xb5: {  	s12 =	sld [smem:$0x7FD];
	_ =	sdelay $0x1  }
0xb6: {  	s30 =	simm.s32 $0x14040  }
0xb7: {  	[tilespmem:s30], [sflag:$0x8] =	stream.linear.gather [hbm4b:s12+s5], $0x50, $0x38;
	[tilespmem:$0x1E0C0] =	vst v63  }
0xb8: {  	s12 =	rddreg [dreg:$0x7]  }
0xb9: {  	[spmem:s12] =	stream.linear.scatter [tilespmem:s21], [sflag:$0x11], $0x2800, $0x38;
	[tilespmem:$0x1E0C0] =	vst v63  }
0xba: {  	s30 =	rddreg [dreg:$0x8]  }
0xbb: {  	[spmem:s30] =	stream.linear.scatter [tilespmem:s21], [sflag:$0x11], $0x2800, $0x38;
	[tilespmem:$0x1E0C0] =	vst v63  }
0xbc: {  	s12 =	rddreg [dreg:$0x11]  }
0xbd: {  	[spmem:s12] =	stream.linear.scatter [tilespmem:s21], [sflag:$0x11], $0x2800, $0x38;
	[tilespmem:$0x1E0C0] =	vst v63  }
0xbe: {  	s30 =	rddreg [dreg:$0x12]  }
0xbf: {  	[spmem:s30] =	stream.linear.scatter [tilespmem:s21], [sflag:$0x11], $0x2800, $0x38;
	[tilespmem:$0x1E0C0] =	vst v63  }
0xc0: {  	s12 =	rddreg [dreg:$0x13]  }
0xc1: {  	[spmem:s12] =	stream.linear.scatter [tilespmem:s21], [sflag:$0x11], $0x2800, $0x38;
	[tilespmem:$0x1E0C0] =	vst v63  }
0xc2: {  	s30 =	rddreg [dreg:$0x14]  }
0xc3: {  	[spmem:s30] =	stream.linear.scatter [tilespmem:s21], [sflag:$0x11], $0x2800, $0x38;
	[tilespmem:$0x1E0C0] =	vst v63  }
0xc4: {  	s12 =	rddreg [dreg:$0x15]  }
0xc5: {  	[spmem:s12] =	stream.linear.scatter [tilespmem:s21], [sflag:$0x11], $0x2800, $0x38;
	[tilespmem:$0x1E0C0] =	vst v63  }
0xc6: {  	s8 =	simm.s32 @!p0 $0x140C0;
	s12 =	rddreg [dreg:$0x16]  }
0xc7: {  	[spmem:s12] =	stream.linear.scatter @!p0 [tilespmem:s8], [sflag:$0x11], $0x2800, $0x38;
	[tilespmem:$0x1E0C0] =	vst v63  }
0xc8: {  	_ =	swait.ge [sflag:s22], $0x2800  }
0xc9: {  	[sflag:s22] =	ssyncset.done $0x0  }
0xca: {  	[sflag:s22] =	ssyncadd.s32 $0xFFFFD800  }
0xcb: {  	_ =	swait.ge [sflag:s22], $0x2800  }
0xcc: {  	[sflag:s22] =	ssyncset.done $0x0  }
0xcd: {  	[sflag:s22] =	ssyncadd.s32 $0xFFFFD800  }
0xce: {  	_ =	swait.ge [sflag:s22], $0x2800  }
0xcf: {  	[sflag:s22] =	ssyncset.done $0x0  }
0xd0: {  	[sflag:s22] =	ssyncadd.s32 $0xFFFFD800  }
0xd1: {  	_ =	swait.ge [sflag:s22], $0x2800  }
0xd2: {  	[sflag:s22] =	ssyncset.done $0x0  }
0xd3: {  	[sflag:s22] =	ssyncadd.s32 $0xFFFFD800  }
0xd4: {  	_ =	swait.ge [sflag:s22], $0x2800  }
0xd5: {  	[sflag:s22] =	ssyncset.done $0x0  }
0xd6: {  	[sflag:s22] =	ssyncadd.s32 $0xFFFFD800  }
0xd7: {  	_ =	swait.ge [sflag:s22], $0x2800  }
0xd8: {  	[sflag:s22] =	ssyncset.done $0x0  }
0xd9: {  	[sflag:s22] =	ssyncadd.s32 $0xFFFFD800  }
0xda: {  	_ =	swait.ge [sflag:s22], $0x2800  }
0xdb: {  	[sflag:s22] =	ssyncset.done $0x0  }
0xdc: {  	s8 =	simm.s32 @!p1 $0x11;
	[sflag:s22] =	ssyncadd.s32 $0xFFFFD800  }
0xdd: {  	_ =	swait.ge @!p1 [sflag:s8], $0x2800  }
0xde: {  	[sflag:s8] =	ssyncset.done @!p1 $0x0  }
0xdf: {  	[sflag:s8] =	ssyncadd.s32 @!p1 $0xFFFFD800  }
0xe0: {  	_ =	swait.ge [sflag:s9], $0x50  }
0xe1: {  	[sflag:s9] =	ssyncset.done $0x0  }
0xe2: {  	[sflag:s9] =	ssyncadd.s32 $0xFFFFFFB0  }
0xe3: {  	_ =	swait.ge [sflag:s9], $0x50  }
0xe4: {  	[sflag:s9] =	ssyncset.done $0x0  }
0xe5: {  	[sflag:s9] =	ssyncadd.s32 $0xFFFFFFB0  }
0xe6: {  	[tilespmem:s21], [sflag:$0x9] =	stream.indirect.gather [hbm4b:s1+s2], $0x80, s17, s2, $0xb8;
	[tilespmem:$0x1E0C0] =	vst v63  }
0xe7: {  	_ =	swait.ge [sflag:s24], $0x50  }
0xe8: {  	[sflag:s24] =	ssyncset.done $0x0  }
0xe9: {  	[sflag:s24] =	ssyncadd.s32 $0xFFFFFFB0  }
0xea: {  	_ =	swait.ge [sflag:s24], $0x50  }
0xeb: {  	[sflag:s24] =	ssyncset.done $0x0  }
0xec: {  	[sflag:s24] =	ssyncadd.s32 $0xFFFFFFB0  }
0xed: {  	[tilespmem:s25], [sflag:$0xA] =	stream.indirect.gather [hbm4b:s1+s2], $0x80, s16, s2, $0xb8;
	[tilespmem:$0x1E0C0] =	vst v63  }
0xee: {  	_ =	swait.ge [sflag:s26], $0x50  }
0xef: {  	[sflag:s26] =	ssyncset.done $0x0  }
0xf0: {  	[sflag:s26] =	ssyncadd.s32 $0xFFFFFFB0  }
0xf1: {  	_ =	swait.ge [sflag:s26], $0x50  }
0xf2: {  	[sflag:s26] =	ssyncset.done $0x0  }
0xf3: {  	s30 =	simm.s32 $0x190C0;
	[sflag:s26] =	ssyncadd.s32 $0xFFFFFFB0  }
0xf4: {  	[tilespmem:s30], [sflag:$0xB] =	stream.indirect.gather [hbm4b:s1+s2], $0x80, s18, s2, $0xb8;
	[tilespmem:$0x1E0C0] =	vst v63  }
0xf5: {  	_ =	swait.ge [sflag:s29], $0x50  }
0xf6: {  	[sflag:s29] =	ssyncset.done $0x0  }
0xf7: {  	[sflag:s29] =	ssyncadd.s32 $0xFFFFFFB0  }
0xf8: {  	_ =	swait.ge [sflag:s29], $0x50  }
.Ltmp3:
0xf9: {  	[sflag:s29] =	ssyncset.done $0x0;
	(pc) =	sbr.rel .LBB2_4-.Ltmp3, $4  }
0xfa: {  	[sflag:s29] =	ssyncadd.s32 $0xFFFFFFB0  }
0xfb: {  	[tilespmem:s13], [sflag:$0xC] =	stream.indirect.gather [hbm4b:s1+s2], $0x80, s20, s2, $0xb8;
	[tilespmem:$0x1E0C0] =	vst v63  }
0xfc: {  	[bflag:$0x0] =	sbarrier.arrive $0xFFFF  }
0xfd: {  	s8 =	simm.s32 $0x0;
	s18 =	simm.s32 $0x0;
	s28 =	sld [smem:$0x7EE]  }
.LBB2_15:
0xfe: {  	s12 =	rddreg [dreg:$0x19]  }
0xff: {  	s20 =	simm.s32 $0x13EC0;
	s22 =	rddreg [dreg:$0x1a];
	s12 =	sadd.s32 s18, s12  }
0x100: {  	[tilespmem:s20], [sflag:$0x7] =	stream.linear.gather [hbm4b:s12+s5], $0x50, $0x38;
	[tilespmem:$0x1E0C0] =	vst v63  }
0x101: {  	s30 =	simm.s32 $0x13F40;
	s12 =	sadd.s32 s18, s22  }
0x102: {  	[tilespmem:s30], [sflag:$0x7] =	stream.linear.gather [hbm4b:s12+s5], $0x50, $0x38;
	[tilespmem:$0x1E0C0] =	vst v63  }
0x103: {  	_ =	swait.ge [sflag:s26], $0x50  }
0x104: {  	[sflag:s26] =	ssyncset.done $0x0  }
0x105: {  	[sflag:s26] =	ssyncadd.s32 $0xFFFFFFB0  }
0x106: {  	_ =	swait.ge [sflag:s26], $0x50  }
0x107: {  	[sflag:s26] =	ssyncset.done $0x0  }
0x108: {  	s22 =	simm.s32 $0x13AC0;
	s30 =	simm.s32 $0x190C0;
	[sflag:s26] =	ssyncadd.s32 $0xFFFFFFB0  }
0x109: {  	[tilespmem:s30], [sflag:$0xB] =	stream.indirect.gather [hbm4b:s1+s2], $0x80, s22, s2, $0xb8;
	[tilespmem:$0x1E0C0] =	vst v63  }
0x10a: {  	_ =	swait.ge [sflag:s23], $0x2800  }
0x10b: {  	s30 =	simm.s32 $0x13FC0;
	[sflag:s23] =	ssyncset.done $0x0;
	s22 =	rddreg [dreg:$0x17]  }
0x10c: {  	s20 =	rddreg [dreg:$0x18];
	[sflag:s23] =	ssyncadd.s32 $0xFFFFD800;
	s12 =	sadd.s32 s18, s22  }
0x10d: {  	[tilespmem:s30], [sflag:$0x8] =	stream.linear.gather [hbm4b:s12+s5], $0x50, $0x38;
	[tilespmem:$0x1E0C0] =	vst v63  }
0x10e: {  	s22 =	simm.s32 $0x14040;
	s12 =	sadd.s32 s18, s20  }
0x10f: {  	[tilespmem:s22], [sflag:$0x8] =	stream.linear.gather [hbm4b:s12+s5], $0x50, $0x38;
	[tilespmem:$0x1E0C0] =	vst v63  }
0x110: {  	_ =	swait.ge [sflag:s29], $0x50  }
0x111: {  	[sflag:s29] =	ssyncset.done $0x0  }
0x112: {  	[sflag:s29] =	ssyncadd.s32 $0xFFFFFFB0  }
0x113: {  	_ =	swait.ge [sflag:s29], $0x50  }
0x114: {  	[sflag:s29] =	ssyncset.done $0x0  }
0x115: {  	s30 =	simm.s32 $0x13BC0;
	[sflag:s29] =	ssyncadd.s32 $0xFFFFFFB0  }
0x116: {  	[tilespmem:s13], [sflag:$0xC] =	stream.indirect.gather [hbm4b:s1+s2], $0x80, s30, s2, $0xb8;
	[tilespmem:$0x1E0C0] =	vst v63  }
.LBB2_16:
0x117: {  	s8 =	sadd.s32 $0x1, s8;
	s18 =	sadd.s32 $0x50, s18;
	s28 =	sadd.s32 $0x280, s28  }
.LBB2_4:
0x118: {  	_ =	swait.ge [sflag:s31], $0x2800  }
0x119: {  	[sflag:s31] =	ssyncset.done $0x0  }
0x11a: {  	[sflag:s31] =	ssyncadd.s32 $0xFFFFD800  }
0x11b: {  	[spmem:s4] =	stream.indirect.scatter.add.f32 [tilespmem:s21], [sflag:$0xD], $0x80, s14, s2, $0xb8;
	[tilespmem:$0x1E0C0] =	vst v63  }
0x11c: {  	_ =	swait.ge [sflag:s3], $0x2800  }
0x11d: {  	p2 =	sgt.u32 s8, $0x1E;
	[sflag:s3] =	ssyncset.done $0x0  }
0x11e: {  	s30 =	simm.s32 @!p2 $0xB;
	[sflag:s3] =	ssyncadd.s32 $0xFFFFD800  }
0x11f: {  	[spmem:s4] =	stream.indirect.scatter.add.f32 [tilespmem:s25], [sflag:$0xE], $0x80, s6, s2, $0xb8;
	[tilespmem:$0x1E0C0] =	vst v63  }
0x120: {  	_ =	swait.ge @!p2 [sflag:s30], $0x2800  }
0x121: {  	s20 =	simm.s32 @!p2 $0x13B40;
	[sflag:s30] =	ssyncset.done @!p2 $0x0  }
0x122: {  	s22 =	simm.s32 @!p2 $0x190C0;
	[sflag:s30] =	ssyncadd.s32 @!p2 $0xFFFFD800;
	s30 =	simm.s32 @!p2 $0x50  }
0x123: {  	[spmem:s4] =	stream.indirect.scatter.add.f32 @!p2 [tilespmem:s22], [sflag:$0xF], $0x80, s20, s30, $0xb8;
	[tilespmem:$0x1E0C0] =	vst v63  }
0x124: {  	s20 =	simm.s32 @!p2 $0xC  }
0x125: {  	_ =	swait.ge @!p2 [sflag:s20], $0x2800  }
0x126: {  	p3 =	seq.s32 s18, $0x9B0;
	s22 =	simm.s32 @!p2 $0x1B8C0;
	[sflag:s20] =	ssyncset.done @!p2 $0x0  }
.Ltmp4:
0x127: {  	[sflag:s20] =	ssyncadd.s32 @!p2 $0xFFFFD800;
	s20 =	simm.s32 @!p2 $0x13C40;
	(pc) =	sbr.rel @p3 .LBB2_17-.Ltmp4, $4  }
0x128: {  	[spmem:s4] =	stream.indirect.scatter.add.f32 @!p2 [tilespmem:s22], [sflag:$0x10], $0x80, s20, s30, $0xb8;
	[tilespmem:$0x1E0C0] =	vst v63  }
0x129: {  	_ =	swait.ge [sflag:s0], $0x2800  }
0x12a: {  	[sflag:s0] =	ssyncset.done $0x0  }
0x12b: {  	[sflag:s0] =	ssyncadd.s32 $0xFFFFD800  }
0x12c: {  	s20 =	sshrl.u32 s28, $0x3;
	s12 =	rddreg [dreg:$0x1]  }
0x12d: {  	s20 =	sadd.s32 s12, s20  }
0x12e: {  	[tilespmem:s17], [sflag:$0x1] =	stream.linear.gather [hbm4b:s20+s5], $0x50, $0x38;
	[tilespmem:$0x1E0C0] =	vst v63  }
0x12f: {  	s22 =	sadd.s32 s18, s15;
	s20 =	simm.s32 @!p2 $0x5  }
0x130: {  	[tilespmem:s14], [sflag:$0x1] =	stream.linear.gather [hbm4b:s22+s5], $0x50, $0x38;
	[tilespmem:$0x1E0C0] =	vst v63  }
0x131: {  	_ =	swait.ge @!p2 [sflag:s20], $0x50  }
0x132: {  	[sflag:s20] =	ssyncset.done @!p2 $0x0  }
0x133: {  	[sflag:s20] =	ssyncadd.s32 @!p2 $0xFFFFFFB0  }
0x134: {  	_ =	swait.ge @!p2 [sflag:s20], $0x50  }
0x135: {  	[sflag:s20] =	ssyncset.done @!p2 $0x0  }
0x136: {  	s22 =	simm.s32 @!p2 $0x140C0;
	[sflag:s20] =	ssyncadd.s32 @!p2 $0xFFFFFFB0;
	s20 =	simm.s32 @!p2 $0x13CC0  }
0x137: {  	[tilespmem:s22], [sflag:$0x9] =	stream.indirect.gather @!p2 [hbm4b:s1+s30], $0x80, s20, s30, $0xb8;
	[tilespmem:$0x1E0C0] =	vst v63  }
0x138: {  	_ =	swait.ge [sflag:s7], $0x2800  }
0x139: {  	s30 =	sld [smem:$0x7EC];
	_ =	sdelay $0x1  }
.Ltmp5:
0x13a: {  	[sflag:s7] =	ssyncset.done $0x0;
	s22 =	sld [smem:$0x7ED];
	(pc) =	sbr.rel @p2 .LBB2_7-.Ltmp5, $4  }
0x13b: {  	[sflag:s7] =	ssyncadd.s32 $0xFFFFD800;
	s12 =	sadd.s32 s18, s30  }
0x13c: {  	[tilespmem:s16], [sflag:$0x2] =	stream.linear.gather [hbm4b:s12+s5], $0x50, $0x38;
	[tilespmem:$0x1E0C0] =	vst v63  }
0x13d: {  	p4 =	por $0x0, $0x0;
	s30 =	sadd.s32 s18, s22  }
0x13e: {  	[tilespmem:s6], [sflag:$0x2] =	stream.linear.gather [hbm4b:s30+s5], $0x50, $0x38;
	[tilespmem:$0x1E0C0] =	vst v63  }
0x13f: {  	_ =	swait.ge [sflag:s11], $0x50  }
0x140: {  	[sflag:s11] =	ssyncset.done $0x0  }
0x141: {  	[sflag:s11] =	ssyncadd.s32 $0xFFFFFFB0  }
0x142: {  	_ =	swait.ge [sflag:s11], $0x50  }
0x143: {  	[sflag:s11] =	ssyncset.done $0x0  }
0x144: {  	s12 =	simm.s32 $0x13DC0;
	[sflag:s11] =	ssyncadd.s32 $0xFFFFFFB0  }
0x145: {  	[tilespmem:s25], [sflag:$0xA] =	stream.indirect.gather [hbm4b:s1+s2], $0x80, s12, s2, $0xb8;
	[tilespmem:$0x1E0C0] =	vst v63  }
0x146: {  	_ =	swait.ge [sflag:s19], $0x2800  }
0x147: {  	p3 =	seq.s32 s18, $0x960;
	[sflag:s19] =	ssyncset.done $0x0  }
0x148: {  	s20 =	simm.s32 @p3 $0x7;
	[sflag:s19] =	ssyncadd.s32 $0xFFFFD800  }
0x149: {  	_ =	swait.ge @p3 [sflag:s20], $0x50  }
0x14a: {  	[sflag:s20] =	ssyncset.done @p3 $0x0  }
0x14b: {  	[sflag:s20] =	ssyncadd.s32 @p3 $0xFFFFFFB0  }
0x14c: {  	_ =	swait.ge @p3 [sflag:s20], $0x50  }
0x14d: {  	s22 =	simm.s32 @p3 $0x13EC0;
	[sflag:s20] =	ssyncset.done @p3 $0x0  }
0x14e: {  	s30 =	simm.s32 @p3 $0x190C0;
	[sflag:s20] =	ssyncadd.s32 @p3 $0xFFFFFFB0;
	s20 =	simm.s32 @p3 $0x50  }
0x14f: {  	[tilespmem:s30], [sflag:$0xB] =	stream.indirect.gather @p3 [hbm4b:s1+s20], $0x80, s22, s20, $0xb8;
	[tilespmem:$0x1E0C0] =	vst v63  }
0x150: {  	s20 =	simm.s32 @p3 $0x10  }
0x151: {  	_ =	swait.ge @p3 [sflag:s20], $0x2800  }
0x152: {  	[sflag:s20] =	ssyncset.done @p3 $0x0;
	s12 =	rddreg [dreg:$0x1f]  }
0x153: {  	[sflag:s20] =	ssyncadd.s32 @p3 $0xFFFFD800;
	s20 =	sadd.s32 @!p3 s18, s12;
	s12 =	sld [smem:$0x7E9]  }
0x154: {  	s22 =	simm.s32 @!p3 $0x0;
	s30 =	simm.s32 @!p3 $0x13AC0  }
0x155: {  	[tilespmem:s30], [sflag:$0x3] =	stream.linear.gather @!p3 [hbm4b:s20+s22], $0x50, $0x38;
	[tilespmem:$0x1E0C0] =	vst v63  }
0x156: {  	s30 =	simm.s32 @!p3 $0x13B40;
	s20 =	sadd.s32 @!p3 s18, s12  }
0x157: {  	[tilespmem:s30], [sflag:$0x3] =	stream.linear.gather @!p3 [hbm4b:s20+s22], $0x50, $0x38;
	[tilespmem:$0x1E0C0] =	vst v63  }
0x158: {  	s20 =	simm.s32 @!p3 $0x7  }
0x159: {  	_ =	swait.ge @!p3 [sflag:s20], $0x50  }
0x15a: {  	[sflag:s20] =	ssyncset.done @!p3 $0x0  }
0x15b: {  	[sflag:s20] =	ssyncadd.s32 @!p3 $0xFFFFFFB0  }
0x15c: {  	_ =	swait.ge @!p3 [sflag:s20], $0x50  }
0x15d: {  	s12 =	simm.s32 @!p3 $0x190C0;
	[sflag:s20] =	ssyncset.done @!p3 $0x0  }
0x15e: {  	s30 =	simm.s32 @!p3 $0x13EC0;
	[sflag:s20] =	ssyncadd.s32 @!p3 $0xFFFFFFB0;
	s20 =	simm.s32 @!p3 $0x50  }
0x15f: {  	[tilespmem:s12], [sflag:$0xB] =	stream.indirect.gather @!p3 [hbm4b:s1+s20], $0x80, s30, s20, $0xb8;
	[tilespmem:$0x1E0C0] =	vst v63  }
0x160: {  	s12 =	simm.s32 @!p3 $0x10  }
0x161: {  	_ =	swait.ge @!p3 [sflag:s12], $0x2800  }
0x162: {  	[sflag:s12] =	ssyncset.done @!p3 $0x0  }
0x163: {  	[sflag:s12] =	ssyncadd.s32 @!p3 $0xFFFFD800;
	s12 =	rddreg [dreg:$0x1d]  }
0x164: {  	s20 =	simm.s32 @!p3 $0x13BC0;
	s12 =	sadd.s32 @!p3 s18, s12  }
0x165: {  	[tilespmem:s20], [sflag:$0x4] =	stream.linear.gather @!p3 [hbm4b:s12+s22], $0x50, $0x38;
	[tilespmem:$0x1E0C0] =	vst v63  }
0x166: {  	s12 =	rddreg [dreg:$0x1e]  }
0x167: {  	s20 =	simm.s32 @!p3 $0x13C40;
	s12 =	sadd.s32 @!p3 s18, s12  }
0x168: {  	[tilespmem:s20], [sflag:$0x4] =	stream.linear.gather @!p3 [hbm4b:s12+s22], $0x50, $0x38;
	[tilespmem:$0x1E0C0] =	vst v63  }
0x169: {  	_ =	swait.ge [sflag:s10], $0x50  }
0x16a: {  	[sflag:s10] =	ssyncset.done $0x0  }
0x16b: {  	[sflag:s10] =	ssyncadd.s32 $0xFFFFFFB0  }
0x16c: {  	_ =	swait.ge [sflag:s10], $0x50  }
0x16d: {  	[sflag:s10] =	ssyncset.done $0x0  }
0x16e: {  	s30 =	simm.s32 $0x1B8C0;
	s20 =	simm.s32 $0x13FC0;
	[sflag:s10] =	ssyncadd.s32 $0xFFFFFFB0  }
0x16f: {  	[tilespmem:s30], [sflag:$0xC] =	stream.indirect.gather [hbm4b:s1+s2], $0x80, s20, s2, $0xb8;
	[tilespmem:$0x1E0C0] =	vst v63  }
0x170: {  	_ =	swait.ge [sflag:s31], $0x2800  }
0x171: {  	[sflag:s31] =	ssyncset.done $0x0  }
0x172: {  	s13 =	simm.s32 $0x13D40;
	[sflag:s31] =	ssyncadd.s32 $0xFFFFD800  }
0x173: {  	[spmem:s4] =	stream.indirect.scatter.add.f32 [tilespmem:s21], [sflag:$0xD], $0x80, s13, s2, $0xb8;
	[tilespmem:$0x1E0C0] =	vst v63  }
0x174: {  	_ =	swait.ge [sflag:s3], $0x2800  }
0x175: {  	[sflag:s3] =	ssyncset.done $0x0  }
0x176: {  	s20 =	simm.s32 $0x13E40;
	s13 =	simm.s32 $0xB;
	[sflag:s3] =	ssyncadd.s32 $0xFFFFD800  }
0x177: {  	[spmem:s4] =	stream.indirect.scatter.add.f32 [tilespmem:s25], [sflag:$0xE], $0x80, s20, s2, $0xb8;
	[tilespmem:$0x1E0C0] =	vst v63  }
0x178: {  	_ =	swait.ge [sflag:s13], $0x2800  }
0x179: {  	[sflag:s13] =	ssyncset.done $0x0  }
0x17a: {  	s20 =	simm.s32 $0x13F40;
	[sflag:s13] =	ssyncadd.s32 $0xFFFFD800;
	s13 =	simm.s32 $0x190C0  }
0x17b: {  	[spmem:s4] =	stream.indirect.scatter.add.f32 [tilespmem:s13], [sflag:$0xF], $0x80, s20, s2, $0xb8;
	[tilespmem:$0x1E0C0] =	vst v63  }
0x17c: {  	s13 =	simm.s32 $0xC  }
0x17d: {  	_ =	swait.ge [sflag:s13], $0x2800  }
0x17e: {  	[sflag:s13] =	ssyncset.done $0x0  }
0x17f: {  	s20 =	simm.s32 $0x14040;
	[sflag:s13] =	ssyncadd.s32 $0xFFFFD800  }
0x180: {  	[spmem:s4] =	stream.indirect.scatter.add.f32 [tilespmem:s30], [sflag:$0x10], $0x80, s20, s2, $0xb8;
	[tilespmem:$0x1E0C0] =	vst v63  }
0x181: {  	_ =	swait.ge [sflag:s0], $0x2800  }
0x182: {  	s12 =	sld [smem:$0x7EA];
	_ =	sdelay $0x1  }
0x183: {  	[sflag:s0] =	ssyncset.done $0x0  }
0x184: {  	s20 =	simm.s32 @!p3 $0x13CC0;
	[sflag:s0] =	ssyncadd.s32 $0xFFFFD800;
	s12 =	sadd.s32 @!p3 s18, s12  }
0x185: {  	[tilespmem:s20], [sflag:$0x5] =	stream.linear.gather @!p3 [hbm4b:s12+s22], $0x50, $0x38;
	[tilespmem:$0x1E0C0] =	vst v63  }
0x186: {  	s12 =	sld [smem:$0x7EB]  }
0x187: {  	p4 =	por $0x0, $0x0;
	p5 =	por @!p3 $0x1, $0x1  }
0x188: {  	p4 =	por @!p3 p5, p5  }
0x189: {  	s13 =	simm.s32 $0x1B8C0;
	s20 =	simm.s32 @!p3 $0x13D40;
	s12 =	sadd.s32 @!p3 s18, s12  }
0x18a: {  	[tilespmem:s20], [sflag:$0x5] =	stream.linear.gather @!p3 [hbm4b:s12+s22], $0x50, $0x38;
	[tilespmem:$0x1E0C0] =	vst v63  }
.LBB2_7:
0x18b: {  	_ =	swait.ge [sflag:s9], $0x50  }
0x18c: {  	[sflag:s9] =	ssyncset.done $0x0  }
.Ltmp6:
0x18d: {  	[sflag:s9] =	ssyncadd.s32 $0xFFFFFFB0;
	(pc) =	sbr.rel @p2 .LBB2_9-.Ltmp6, $4  }
0x18e: {  	_ =	swait.ge [sflag:s9], $0x50  }
0x18f: {  	[sflag:s9] =	ssyncset.done $0x0  }
0x190: {  	[sflag:s9] =	ssyncadd.s32 $0xFFFFFFB0  }
0x191: {  	[tilespmem:s21], [sflag:$0x9] =	stream.indirect.gather [hbm4b:s1+s2], $0x80, s17, s2, $0xb8;
	[tilespmem:$0x1E0C0] =	vst v63  }
.Ltmp7:
0x192: {  	(pc) =	sbr.rel @p4 .LBB2_10-.Ltmp7, $4  }
.Ltmp8:
0x193: {  	(pc) =	sbr.rel @!p4 .LBB2_11-.Ltmp8, $4  }
0x194: {  	_ =	swait.ge [sflag:s7], $0x2800  }
0x195: {  	[sflag:s7] =	ssyncset.done $0x0  }
0x196: {  	p3 =	por $0x0, $0x0;
	[sflag:s7] =	ssyncadd.s32 $0xFFFFD800  }
0x197: {  	_ = 	snop  }
.LBB2_9:
.Ltmp9:
0x198: {  	(pc) =	sbr.rel @!p4 .LBB2_11-.Ltmp9, $2  }
0x199: {  	_ =	sdelay $0x2  }
0x19a: {  	p3 =	por $0x0, $0x0  }
.LBB2_10:
0x19b: {  	s12 =	rddreg [dreg:$0x1b]  }
0x19c: {  	s20 =	simm.s32 $0x13DC0;
	s22 =	rddreg [dreg:$0x1c];
	s12 =	sadd.s32 s18, s12  }
0x19d: {  	[tilespmem:s20], [sflag:$0x6] =	stream.linear.gather [hbm4b:s12+s5], $0x50, $0x38;
	[tilespmem:$0x1E0C0] =	vst v63  }
0x19e: {  	s30 =	simm.s32 $0x13E40;
	p3 =	por $0x1, $0x1;
	s12 =	sadd.s32 s18, s22  }
0x19f: {  	[tilespmem:s30], [sflag:$0x6] =	stream.linear.gather [hbm4b:s12+s5], $0x50, $0x38;
	[tilespmem:$0x1E0C0] =	vst v63  }
.LBB2_11:
0x1a0: {  	_ =	swait.ge [sflag:s24], $0x50  }
0x1a1: {  	[sflag:s24] =	ssyncset.done $0x0  }
.Ltmp10:
0x1a2: {  	[sflag:s24] =	ssyncadd.s32 $0xFFFFFFB0;
	(pc) =	sbr.rel @p2 .LBB2_14-.Ltmp10, $4  }
0x1a3: {  	_ =	swait.ge [sflag:s24], $0x50  }
0x1a4: {  	[sflag:s24] =	ssyncset.done $0x0  }
0x1a5: {  	[sflag:s24] =	ssyncadd.s32 $0xFFFFFFB0  }
0x1a6: {  	[tilespmem:s25], [sflag:$0xA] =	stream.indirect.gather [hbm4b:s1+s2], $0x80, s16, s2, $0xb8;
	[tilespmem:$0x1E0C0] =	vst v63  }
.Ltmp11:
0x1a7: {  	(pc) =	sbr.rel @p3 .LBB2_15-.Ltmp11, $4  }
0x1a8: {  	_ = 	snop  }
0x1a9: {  	_ =	swait.ge [sflag:s19], $0x2800  }
0x1aa: {  	[sflag:s19] =	ssyncset.done $0x0  }
0x1ab: {  	[sflag:s19] =	ssyncadd.s32 $0xFFFFD800  }
.Ltmp12:
0x1ac: {  	(pc) =	sbr.rel .LBB2_16-.Ltmp12, $4  }
0x1ad: {  	_ = 	snop  }
0x1ae: {  	_ =	swait.ge [sflag:s23], $0x2800  }
0x1af: {  	[sflag:s23] =	ssyncset.done $0x0  }
0x1b0: {  	[sflag:s23] =	ssyncadd.s32 $0xFFFFD800  }
.LBB2_14:
.Ltmp13:
0x1b1: {  	(pc) =	sbr.rel @!p3 .LBB2_16-.Ltmp13, $4  }
.Ltmp14:
0x1b2: {  	(pc) =	sbr.rel @p3 .LBB2_15-.Ltmp14, $4  }
0x1b3: {  	_ = 	snop  }
0x1b4: {  	_ = 	snop  }
0x1b5: {  	_ = 	snop  }
0x1b6: {  	_ = 	snop  }
.LBB2_18:
0x1b7: {  	_ =	sfence.sel $0x180000  }
0x1b8: {  	[bflag:$0x0] =	sbarrier.arrive $0xFFFF  }
0x1b9: {  	_ =	strace $0x90000047  }
0x1ba: {  	s0 =	stileid.u32;
	[bflag:$0x2] =	sbarrier.arrive $0xFFFF  }
0x1bb: {  	p0 =	sne.s32 s0, $0x0;
	s0 =	rddreg [dreg:$0x4]  }
0x1bc: {  	s0 =	sadd.s32 @!p0 $0x100000, s0  }
0x1bd: {  	[sflag:s0] =	ssyncadd.tile.s32 @!p0 $0x1;
	_ =	shalt  }
.Lfunc_end2:
_tile_overlayer_lowered:
.L_overlay_start_2:
0x1be: {  	(tag) =	ssettag $0x2  }
0x1bf: {  	s0 =	rddreg [dreg:$0x0];
	s2 =	stileid.u32  }
0x1c0: {  	s1 =	rddreg [dreg:$0x1];
	p0 =	sne.s32 s2, $0x0  }
0x1c1: {  	s3 =	rddreg [dreg:$0x2];
	[bflag:$0x3] =	sbarrier.arrive $0xFFFF;
	s2 =	simm.s32 @!p0 $0x1C12  }
0x1c2: {  	[timem:s3], [sflag:s2] =	dma.local @!p0 [hbm:s0], s1  }
0x1c3: {  	s0 =	simm.s32 @!p0 $0x12  }
0x1c4: {  	_ =	swait.ge @!p0 [sflag:s0], s1  }
0x1c5: {  	s1 =	ssub.s32 @!p0 $0x0, s1;
	[sflag:s0] =	ssyncset.done @!p0 $0x0  }
0x1c6: {  	[sflag:s0] =	ssyncadd.s32 @!p0 s1  }
0x1c7: {  	[bflag:$0x3] =	sbarrier.arrive $0xFFFF  }
0x1c8: {  	_ =	shalt  }

</sc_bundles>
